<compile_context>
chip_gen: v7x
topology: tpu7x:2x2x1
jax: 0.10.2.dev20260603
libtpu: 0.0.44.dev20260713+nightly
codegen_flags: <defaults>
</compile_context>

<pallas_src>
import functools

import jax
import jax.numpy as jnp
from jax import lax
from jax.experimental import pallas as pl
from jax.experimental.pallas import tpu as pltpu
from jax.experimental.pallas import tpu_sc as plsc

BATCH = 16384
FEAT = 640
NCLASS = 6
CPAD = 8


SC_ROWS = 6144
NC = 2
NS = 16
NW = NC * NS
RPW = SC_ROWS // NW
CH = 48
NCH = RPW // CH
NVR = FEAT // 16
NACC = 4

assert SC_ROWS % (NW * 16) == 0 and RPW % CH == 0 and NCH % 2 == 0

_sc_mesh = plsc.VectorSubcoreMesh(core_axis_name="c", subcore_axis_name="s")


@functools.partial(
    pl.kernel,
    out_type=jax.ShapeDtypeStruct((NW, 32), jnp.float32),
    mesh=_sc_mesh,
    scratch_types=[
        pltpu.VMEM((CH, FEAT), jnp.float32),
        pltpu.VMEM((CH, FEAT), jnp.float32),
        pltpu.VMEM((NCLASS * FEAT,), jnp.float32),
        pltpu.VMEM((RPW,), jnp.int32),
        pltpu.VMEM((32,), jnp.float32),
        pltpu.SMEM((RPW,), jnp.int32),
        pltpu.SemaphoreType.DMA,
        pltpu.SemaphoreType.DMA,
    ],
)
def _sc_loss(f_hbm, lab_hbm, c_hbm, out_hbm,
             fbuf0, fbuf1, cbuf, labbuf, obuf, offs, sem0, sem1):
    wid = lax.axis_index("s") * NC + lax.axis_index("c")
    rbase = wid * RPW

    pltpu.sync_copy(c_hbm, cbuf)
    pltpu.sync_copy(lab_hbm.at[pl.ds(rbase, RPW)], labbuf)

    bufs = (fbuf0, fbuf1)
    sems = (sem0, sem1)
    pltpu.async_copy(f_hbm.at[pl.ds(rbase, CH), :], fbuf0, sem0)
    pltpu.async_copy(f_hbm.at[pl.ds(rbase + CH, CH), :], fbuf1, sem1)

    iota = lax.iota(jnp.int32, 16)
    one = jnp.float32(1.0)
    zero = jnp.float32(0.0)

    def _off_body(g, hist):
        labv = labbuf[pl.ds(g * 16, 16)]
        coffv = jnp.minimum(labv, NCLASS - 1) * FEAT
        for t in range(16):
            offs[g * 16 + t] = coffv[t]
            hist = hist + jnp.where(iota == labv[t], one, zero)
        return hist
    hist = lax.fori_loop(0, RPW // 16, _off_body,
                         jnp.zeros((16,), jnp.float32))

    def _compute_chunk(buf, ch, chains):
        def _row_body(r, ra):
            coff = offs[ch * CH + r]
            ra = list(ra)
            for j in range(NVR):
                d = (buf[r, pl.ds(j * 16, 16)]
                     - cbuf[pl.ds(coff + j * 16, 16)])
                ra[j % NACC] = ra[j % NACC] + d * d
            return tuple(ra)

        return lax.fori_loop(0, CH, _row_body, chains)

    def _pair_body(p, chains):
        for b in range(2):
            ch = 2 * p + b
            pltpu.make_async_copy(
                f_hbm.at[pl.ds(0, CH), :], bufs[b], sems[b]).wait()
            chains = _compute_chunk(bufs[b], ch, chains)

            @pl.when(ch + 2 < NCH)
            def _():
                pltpu.async_copy(
                    f_hbm.at[pl.ds(rbase + (ch + 2) * CH, CH), :],
                    bufs[b], sems[b])
        return chains

    chains = lax.fori_loop(
        0, NCH // 2, _pair_body,
        tuple(jnp.zeros((16,), jnp.float32) for _ in range(NACC)))
    f2v = (chains[0] + chains[1]) + (chains[2] + chains[3])

    cntv = jnp.where(iota < NCLASS, hist, zero)
    obuf[pl.ds(0, 16)] = f2v
    obuf[pl.ds(16, 16)] = cntv
    pltpu.sync_copy(obuf, out_hbm.at[wid])



BB = 2048
TCOFF = SC_ROWS // BB
NB = (BATCH - SC_ROWS) // BB

assert SC_ROWS % BB == 0 and (BATCH - SC_ROWS) % BB == 0


def _tc_body(f_ref, lab_ref, ct_ref, out_ref, acc_ref):
    i = pl.program_id(0)

    @pl.when(i == 0)
    def _():
        acc_ref[0] = 0.0
        acc_ref[1] = 0.0

    f = f_ref[...]
    lab = lab_ref[...]
    ct = ct_ref[...]

    mask = (lab < NCLASS).astype(jnp.float32)
    onehot = (lab == lax.broadcasted_iota(jnp.int32, (BB, CPAD), 1))
    onehot = onehot.astype(jnp.float32) * mask

    p = jnp.dot(f, ct, preferred_element_type=jnp.float32)
    c2 = jnp.sum(ct * ct, axis=0, keepdims=True)
    rows2 = jnp.sum(f * f, axis=1, keepdims=True)

    contrib = jnp.sum(rows2 * mask) + jnp.sum(onehot * (c2 - 2.0 * p))
    acc_ref[0] += contrib
    acc_ref[1] += jnp.sum(mask)

    @pl.when(i == NB - 1)
    def _():
        out_ref[0, 0] = acc_ref[0]
        out_ref[0, 1] = acc_ref[1]


@jax.jit
def _center_loss(features, labels, centers, centers_t):
    sc_part = _sc_loss(features, labels, centers.reshape(-1))
    lab2d = labels.reshape(BATCH, 1)
    tc_out = pl.pallas_call(
        _tc_body,
        grid=(NB,),
        in_specs=[
            pl.BlockSpec((BB, FEAT), lambda i: (i + TCOFF, 0)),
            pl.BlockSpec((BB, 1), lambda i: (i + TCOFF, 0)),
            pl.BlockSpec((FEAT, CPAD), lambda i: (0, 0)),
        ],
        out_specs=pl.BlockSpec(memory_space=pltpu.SMEM),
        out_shape=jax.ShapeDtypeStruct((1, 2), jnp.float32),
        scratch_shapes=[pltpu.SMEM((2,), jnp.float32)],
    )(features, lab2d, centers_t)
    num = tc_out[0, 0] + jnp.sum(sc_part[:, :16])
    cnt = tc_out[0, 1] + jnp.sum(sc_part[:, 16:])
    return num / cnt


def kernel(features, labels, centers):
    centers_t = jnp.zeros((FEAT, CPAD), jnp.float32).at[:, :NCLASS].set(
        centers.T)
    return _center_loss(features, labels, centers, centers_t)

# --- scband reference (transcript-rebuilt; emitter-appended) ---
"""Pipeline reference for scband-center-loss-4844723110170 (READ-ONLY COPY).

The authoritative reference and input builder live on the scoring server;
editing this copy changes nothing except your own understanding.
"""

import jax, jax.numpy as jnp
import numpy as np

NUM_CLASSES = 6
FEAT_DIM = 640
BATCH = 16384

def setup_inputs(seed: int = 0) -> dict:
    key = jax.random.key(seed)
    k1, k2, k3 = jax.random.split(key, 3)
    features = jax.random.normal(k1, (BATCH, FEAT_DIM), dtype=jnp.float32)
    labels = jax.random.randint(k2, (BATCH,), 0, 6, dtype=jnp.int32)
    # learned buffer: class centers, initialized ~ torch.randn(num_classes, feat_dim)
    centers = jax.random.normal(k3, (NUM_CLASSES, FEAT_DIM), dtype=jnp.float32)
    return {"features": features, "labels": labels, "centers": centers}

def reference(features, labels, centers):
    # normalize=False branch (per init_kwargs): use raw features/centers
    valid = labels < 6
    centers_batch = jnp.take(centers, labels, axis=0)  # gather per-sample class center
    per_sample = jnp.sum((features - centers_batch) ** 2, axis=1)
    mask = valid.astype(per_sample.dtype)
    loss = jnp.sum(per_sample * mask) / jnp.sum(mask)
    return loss

if __name__ == "__main__":
    import jax
    _d = setup_inputs()
    print(jax.jit(kernel)(*tuple(_d.values())))

</pallas_src>

<mosaic_0001>
#map = affine_map<(d0, d1) -> (0, 0)>
#map1 = affine_map<(d0, d1) -> (0)>
module attributes {stable_mosaic.version = 14 : i64} {
  func.func @_sc_loss(%arg0: i32, %arg1: i32, %arg2: memref<16384x640xf32, #tpu.memory_space<hbm>>, %arg3: memref<16384xi32, #tpu.memory_space<hbm>>, %arg4: memref<3840xf32, #tpu.memory_space<hbm>>, %arg5: memref<32x32xf32, #tpu.memory_space<hbm>>, %arg6: memref<48x640xf32, #tpu.memory_space<vmem>>, %arg7: memref<48x640xf32, #tpu.memory_space<vmem>>, %arg8: memref<3840xf32, #tpu.memory_space<vmem>>, %arg9: memref<192xi32, #tpu.memory_space<vmem>>, %arg10: memref<32xf32, #tpu.memory_space<vmem>>, %arg11: memref<192xi32, #tpu.memory_space<smem>>, %arg12: memref<!tpu.dma_semaphore, #tpu.memory_space<semaphore_mem>>, %arg13: memref<!tpu.dma_semaphore, #tpu.memory_space<semaphore_mem>>) attributes {dimension_semantics = [#tpu.dimension_semantics<core_parallel>, #tpu.dimension_semantics<subcore_parallel>], iteration_bounds = array<i64: 2, 16>, scalar_prefetch = 0 : i64, scratch_operands = 8 : i64, tpu.core_type = #tpu.core_type<sc_vector_subcore>, window_params = [{transform_indices = #map}, {transform_indices = #map1}, {transform_indices = #map1}, {transform_indices = #map}]} {
    %mul3A = arith.constant 2 : i32
    %mul3A_0 = arith.muli %arg1, %mul3A : i32
    %add3A = arith.addi %mul3A_0, %arg0 : i32
    %mul3A_1 = arith.constant 192 : i32
    %mul3A_2 = arith.muli %add3A, %mul3A_1 : i32
    "tpu.region"() ({
      %run_scoped3A = tpu.sem_alloc : memref<!tpu.dma_semaphore, #tpu.memory_space<semaphore_mem>>
      tpu.enqueue_dma source(%arg4 : memref<3840xf32, #tpu.memory_space<hbm>>) target(%arg8 : memref<3840xf32, #tpu.memory_space<vmem>>) target_semaphore(%run_scoped3A : memref<!tpu.dma_semaphore, #tpu.memory_space<semaphore_mem>>)
      tpu.wait_dma2 semaphore(%run_scoped3A : memref<!tpu.dma_semaphore, #tpu.memory_space<semaphore_mem>>) src(%arg4 : memref<3840xf32, #tpu.memory_space<hbm>>) dst(%arg8 : memref<3840xf32, #tpu.memory_space<vmem>>)
      tpu.yield
    }) : () -> ()
    "tpu.region"() ({
      %run_scoped3A = tpu.sem_alloc : memref<!tpu.dma_semaphore, #tpu.memory_space<semaphore_mem>>
      %dma_start3A_47 = tpu.memref_slice %arg3[%mul3A_2] : memref<16384xi32, #tpu.memory_space<hbm>> -> memref<192xi32, #tpu.memory_space<hbm>>
      %dma_start3A_48 = tpu.memref_slice %arg3[%mul3A_2] : memref<16384xi32, #tpu.memory_space<hbm>> -> memref<192xi32, #tpu.memory_space<hbm>>
      tpu.enqueue_dma source(%dma_start3A_48 : memref<192xi32, #tpu.memory_space<hbm>>) target(%arg9 : memref<192xi32, #tpu.memory_space<vmem>>) target_semaphore(%run_scoped3A : memref<!tpu.dma_semaphore, #tpu.memory_space<semaphore_mem>>)
      %dma_wait3A = tpu.memref_slice %arg3[%mul3A_2] : memref<16384xi32, #tpu.memory_space<hbm>> -> memref<192xi32, #tpu.memory_space<hbm>>
      %dma_wait3A_49 = tpu.memref_slice %arg3[%mul3A_2] : memref<16384xi32, #tpu.memory_space<hbm>> -> memref<192xi32, #tpu.memory_space<hbm>>
      tpu.wait_dma2 semaphore(%run_scoped3A : memref<!tpu.dma_semaphore, #tpu.memory_space<semaphore_mem>>) src(%dma_wait3A_49 : memref<192xi32, #tpu.memory_space<hbm>>) dst(%arg9 : memref<192xi32, #tpu.memory_space<vmem>>)
      tpu.yield
    }) : () -> ()
    %dma_start3A = arith.constant 0 : i32
    %dma_start3A_3 = tpu.memref_slice %arg2[%mul3A_2, %dma_start3A] : memref<16384x640xf32, #tpu.memory_space<hbm>> -> memref<48x640xf32, #tpu.memory_space<hbm>>
    %dma_start3A_4 = arith.constant 0 : i32
    %dma_start3A_5 = tpu.memref_slice %arg2[%mul3A_2, %dma_start3A_4] : memref<16384x640xf32, #tpu.memory_space<hbm>> -> memref<48x640xf32, #tpu.memory_space<hbm>>
    tpu.enqueue_dma source(%dma_start3A_5 : memref<48x640xf32, #tpu.memory_space<hbm>>) target(%arg6 : memref<48x640xf32, #tpu.memory_space<vmem>>) target_semaphore(%arg12 : memref<!tpu.dma_semaphore, #tpu.memory_space<semaphore_mem>>)
    %add3A_6 = arith.constant 48 : i32
    %add3A_7 = arith.addi %mul3A_2, %add3A_6 : i32
    %dma_start3A_8 = arith.constant 0 : i32
    %dma_start3A_9 = tpu.memref_slice %arg2[%add3A_7, %dma_start3A_8] : memref<16384x640xf32, #tpu.memory_space<hbm>> -> memref<48x640xf32, #tpu.memory_space<hbm>>
    %dma_start3A_10 = arith.constant 0 : i32
    %dma_start3A_11 = tpu.memref_slice %arg2[%add3A_7, %dma_start3A_10] : memref<16384x640xf32, #tpu.memory_space<hbm>> -> memref<48x640xf32, #tpu.memory_space<hbm>>
    tpu.enqueue_dma source(%dma_start3A_11 : memref<48x640xf32, #tpu.memory_space<hbm>>) target(%arg7 : memref<48x640xf32, #tpu.memory_space<vmem>>) target_semaphore(%arg13 : memref<!tpu.dma_semaphore, #tpu.memory_space<semaphore_mem>>)
    %iota3A = tpu.iota {dimensions = array<i32: 0>} : vector<16xi32>
    %broadcast_in_dim3A = arith.constant 0.000000e+00 : f32
    %broadcast_in_dim3A_12 = vector.broadcast %broadcast_in_dim3A : f32 to vector<16xf32>
    %scan3A = arith.constant 1.000000e+00 : f32
    %scan3A_13 = arith.constant 0.000000e+00 : f32
    %scan3A_14 = arith.constant 0 : i32
    %scan3A_15 = arith.constant 12 : i32
    %scan3A_16 = arith.addi %scan3A_14, %scan3A_15 : i32
    %scan3A_17 = arith.constant 1 : i32
    %scan3A_18 = scf.for %scan3A_47 = %scan3A_14 to %scan3A_16 step %scan3A_17 iter_args(%scan3A_48 = %broadcast_in_dim3A_12) -> (vector<16xf32>)  : i32 {
      %mul3A_49 = arith.constant 16 : i32
      %mul3A_50 = arith.muli %scan3A_47, %mul3A_49 : i32
      %get3A = arith.index_cast %mul3A_50 : i32 to index
      %get3A_51 = tpu.vector_load %arg9[%get3A] {strides = array<i32>} : memref<192xi32, #tpu.memory_space<vmem>>, vector<16xi32>,
      %get3A_52 = vector.shape_cast %get3A_51 : vector<16xi32> to vector<16xi32>
      %min3A = arith.constant 5 : i32
      %min3A_53 = vector.broadcast %min3A : i32 to vector<16xi32>
      %min3A_54 = arith.minsi %get3A_52, %min3A_53 : vector<16xi32>
      %mul3A_55 = arith.constant 640 : i32
      %mul3A_56 = vector.broadcast %mul3A_55 : i32 to vector<16xi32>
      %mul3A_57 = arith.muli %min3A_54, %mul3A_56 : vector<16xi32>
      %slice3A = vector.extract_strided_slice %mul3A_57 {offsets = [0], sizes = [1], strides = [1]} : vector<16xi32> to vector<1xi32>
      %squeeze3A = vector.extract %slice3A[0] : i32 from vector<1xi32>
      %mul3A_58 = arith.constant 16 : i32
      %mul3A_59 = arith.muli %scan3A_47, %mul3A_58 : i32
      %add3A_60 = arith.constant 0 : i32
      %add3A_61 = arith.addi %mul3A_59, %add3A_60 : i32
      %swap3A_62 = arith.index_cast %add3A_61 : i32 to index
      %swap3A_63 = memref.load %arg11[%swap3A_62] : memref<192xi32, #tpu.memory_space<smem>>
      memref.store %squeeze3A, %arg11[%swap3A_62] : memref<192xi32, #tpu.memory_space<smem>>
      %slice3A_64 = vector.extract_strided_slice %get3A_52 {offsets = [0], sizes = [1], strides = [1]} : vector<16xi32> to vector<1xi32>
      %squeeze3A_65 = vector.extract %slice3A_64[0] : i32 from vector<1xi32>
      %eq3A = vector.broadcast %squeeze3A_65 : i32 to vector<16xi32>
      %eq3A_66 = arith.cmpi eq, %iota3A, %eq3A : vector<16xi32>
      %broadcast_in_dim3A_67 = vector.broadcast %scan3A : f32 to vector<16xf32>
      %broadcast_in_dim3A_68 = vector.broadcast %scan3A_13 : f32 to vector<16xf32>
      %select_n3A_69 = arith.select %eq3A_66, %broadcast_in_dim3A_67, %broadcast_in_dim3A_68 : vector<16xi1>, vector<16xf32>
      %add3A_70 = arith.addf %scan3A_48, %select_n3A_69 : vector<16xf32>
      %slice3A_71 = vector.extract_strided_slice %mul3A_57 {offsets = [1], sizes = [1], strides = [1]} : vector<16xi32> to vector<1xi32>
      %squeeze3A_72 = vector.extract %slice3A_71[0] : i32 from vector<1xi32>
      %mul3A_73 = arith.constant 16 : i32
      %mul3A_74 = arith.muli %scan3A_47, %mul3A_73 : i32
      %add3A_75 = arith.constant 1 : i32
      %add3A_76 = arith.addi %mul3A_74, %add3A_75 : i32
      %swap3A_77 = arith.index_cast %add3A_76 : i32 to index
      %swap3A_78 = memref.load %arg11[%swap3A_77] : memref<192xi32, #tpu.memory_space<smem>>
      memref.store %squeeze3A_72, %arg11[%swap3A_77] : memref<192xi32, #tpu.memory_space<smem>>
      %slice3A_79 = vector.extract_strided_slice %get3A_52 {offsets = [1], sizes = [1], strides = [1]} : vector<16xi32> to vector<1xi32>
      %squeeze3A_80 = vector.extract %slice3A_79[0] : i32 from vector<1xi32>
      %eq3A_81 = vector.broadcast %squeeze3A_80 : i32 to vector<16xi32>
      %eq3A_82 = arith.cmpi eq, %iota3A, %eq3A_81 : vector<16xi32>
      %broadcast_in_dim3A_83 = vector.broadcast %scan3A : f32 to vector<16xf32>
      %broadcast_in_dim3A_84 = vector.broadcast %scan3A_13 : f32 to vector<16xf32>
      %select_n3A_85 = arith.select %eq3A_82, %broadcast_in_dim3A_83, %broadcast_in_dim3A_84 : vector<16xi1>, vector<16xf32>
      %add3A_86 = arith.addf %add3A_70, %select_n3A_85 : vector<16xf32>
      %slice3A_87 = vector.extract_strided_slice %mul3A_57 {offsets = [2], sizes = [1], strides = [1]} : vector<16xi32> to vector<1xi32>
      %squeeze3A_88 = vector.extract %slice3A_87[0] : i32 from vector<1xi32>
      %mul3A_89 = arith.constant 16 : i32
      %mul3A_90 = arith.muli %scan3A_47, %mul3A_89 : i32
      %add3A_91 = arith.constant 2 : i32
      %add3A_92 = arith.addi %mul3A_90, %add3A_91 : i32
      %swap3A_93 = arith.index_cast %add3A_92 : i32 to index
      %swap3A_94 = memref.load %arg11[%swap3A_93] : memref<192xi32, #tpu.memory_space<smem>>
      memref.store %squeeze3A_88, %arg11[%swap3A_93] : memref<192xi32, #tpu.memory_space<smem>>
      %slice3A_95 = vector.extract_strided_slice %get3A_52 {offsets = [2], sizes = [1], strides = [1]} : vector<16xi32> to vector<1xi32>
      %squeeze3A_96 = vector.extract %slice3A_95[0] : i32 from vector<1xi32>
      %eq3A_97 = vector.broadcast %squeeze3A_96 : i32 to vector<16xi32>
      %eq3A_98 = arith.cmpi eq, %iota3A, %eq3A_97 : vector<16xi32>
      %broadcast_in_dim3A_99 = vector.broadcast %scan3A : f32 to vector<16xf32>
      %broadcast_in_dim3A_100 = vector.broadcast %scan3A_13 : f32 to vector<16xf32>
      %select_n3A_101 = arith.select %eq3A_98, %broadcast_in_dim3A_99, %broadcast_in_dim3A_100 : vector<16xi1>, vector<16xf32>
      %add3A_102 = arith.addf %add3A_86, %select_n3A_101 : vector<16xf32>
      %slice3A_103 = vector.extract_strided_slice %mul3A_57 {offsets = [3], sizes = [1], strides = [1]} : vector<16xi32> to vector<1xi32>
      %squeeze3A_104 = vector.extract %slice3A_103[0] : i32 from vector<1xi32>
      %mul3A_105 = arith.constant 16 : i32
      %mul3A_106 = arith.muli %scan3A_47, %mul3A_105 : i32
      %add3A_107 = arith.constant 3 : i32
      %add3A_108 = arith.addi %mul3A_106, %add3A_107 : i32
      %swap3A_109 = arith.index_cast %add3A_108 : i32 to index
      %swap3A_110 = memref.load %arg11[%swap3A_109] : memref<192xi32, #tpu.memory_space<smem>>
      memref.store %squeeze3A_104, %arg11[%swap3A_109] : memref<192xi32, #tpu.memory_space<smem>>
      %slice3A_111 = vector.extract_strided_slice %get3A_52 {offsets = [3], sizes = [1], strides = [1]} : vector<16xi32> to vector<1xi32>
      %squeeze3A_112 = vector.extract %slice3A_111[0] : i32 from vector<1xi32>
      %eq3A_113 = vector.broadcast %squeeze3A_112 : i32 to vector<16xi32>
      %eq3A_114 = arith.cmpi eq, %iota3A, %eq3A_113 : vector<16xi32>
      %broadcast_in_dim3A_115 = vector.broadcast %scan3A : f32 to vector<16xf32>
      %broadcast_in_dim3A_116 = vector.broadcast %scan3A_13 : f32 to vector<16xf32>
      %select_n3A_117 = arith.select %eq3A_114, %broadcast_in_dim3A_115, %broadcast_in_dim3A_116 : vector<16xi1>, vector<16xf32>
      %add3A_118 = arith.addf %add3A_102, %select_n3A_117 : vector<16xf32>
      %slice3A_119 = vector.extract_strided_slice %mul3A_57 {offsets = [4], sizes = [1], strides = [1]} : vector<16xi32> to vector<1xi32>
      %squeeze3A_120 = vector.extract %slice3A_119[0] : i32 from vector<1xi32>
      %mul3A_121 = arith.constant 16 : i32
      %mul3A_122 = arith.muli %scan3A_47, %mul3A_121 : i32
      %add3A_123 = arith.constant 4 : i32
      %add3A_124 = arith.addi %mul3A_122, %add3A_123 : i32
      %swap3A_125 = arith.index_cast %add3A_124 : i32 to index
      %swap3A_126 = memref.load %arg11[%swap3A_125] : memref<192xi32, #tpu.memory_space<smem>>
      memref.store %squeeze3A_120, %arg11[%swap3A_125] : memref<192xi32, #tpu.memory_space<smem>>
      %slice3A_127 = vector.extract_strided_slice %get3A_52 {offsets = [4], sizes = [1], strides = [1]} : vector<16xi32> to vector<1xi32>
      %squeeze3A_128 = vector.extract %slice3A_127[0] : i32 from vector<1xi32>
      %eq3A_129 = vector.broadcast %squeeze3A_128 : i32 to vector<16xi32>
      %eq3A_130 = arith.cmpi eq, %iota3A, %eq3A_129 : vector<16xi32>
      %broadcast_in_dim3A_131 = vector.broadcast %scan3A : f32 to vector<16xf32>
      %broadcast_in_dim3A_132 = vector.broadcast %scan3A_13 : f32 to vector<16xf32>
      %select_n3A_133 = arith.select %eq3A_130, %broadcast_in_dim3A_131, %broadcast_in_dim3A_132 : vector<16xi1>, vector<16xf32>
      %add3A_134 = arith.addf %add3A_118, %select_n3A_133 : vector<16xf32>
      %slice3A_135 = vector.extract_strided_slice %mul3A_57 {offsets = [5], sizes = [1], strides = [1]} : vector<16xi32> to vector<1xi32>
      %squeeze3A_136 = vector.extract %slice3A_135[0] : i32 from vector<1xi32>
      %mul3A_137 = arith.constant 16 : i32
      %mul3A_138 = arith.muli %scan3A_47, %mul3A_137 : i32
      %add3A_139 = arith.constant 5 : i32
      %add3A_140 = arith.addi %mul3A_138, %add3A_139 : i32
      %swap3A_141 = arith.index_cast %add3A_140 : i32 to index
      %swap3A_142 = memref.load %arg11[%swap3A_141] : memref<192xi32, #tpu.memory_space<smem>>
      memref.store %squeeze3A_136, %arg11[%swap3A_141] : memref<192xi32, #tpu.memory_space<smem>>
      %slice3A_143 = vector.extract_strided_slice %get3A_52 {offsets = [5], sizes = [1], strides = [1]} : vector<16xi32> to vector<1xi32>
      %squeeze3A_144 = vector.extract %slice3A_143[0] : i32 from vector<1xi32>
      %eq3A_145 = vector.broadcast %squeeze3A_144 : i32 to vector<16xi32>
      %eq3A_146 = arith.cmpi eq, %iota3A, %eq3A_145 : vector<16xi32>
      %broadcast_in_dim3A_147 = vector.broadcast %scan3A : f32 to vector<16xf32>
      %broadcast_in_dim3A_148 = vector.broadcast %scan3A_13 : f32 to vector<16xf32>
      %select_n3A_149 = arith.select %eq3A_146, %broadcast_in_dim3A_147, %broadcast_in_dim3A_148 : vector<16xi1>, vector<16xf32>
      %add3A_150 = arith.addf %add3A_134, %select_n3A_149 : vector<16xf32>
      %slice3A_151 = vector.extract_strided_slice %mul3A_57 {offsets = [6], sizes = [1], strides = [1]} : vector<16xi32> to vector<1xi32>
      %squeeze3A_152 = vector.extract %slice3A_151[0] : i32 from vector<1xi32>
      %mul3A_153 = arith.constant 16 : i32
      %mul3A_154 = arith.muli %scan3A_47, %mul3A_153 : i32
      %add3A_155 = arith.constant 6 : i32
      %add3A_156 = arith.addi %mul3A_154, %add3A_155 : i32
      %swap3A_157 = arith.index_cast %add3A_156 : i32 to index
      %swap3A_158 = memref.load %arg11[%swap3A_157] : memref<192xi32, #tpu.memory_space<smem>>
      memref.store %squeeze3A_152, %arg11[%swap3A_157] : memref<192xi32, #tpu.memory_space<smem>>
      %slice3A_159 = vector.extract_strided_slice %get3A_52 {offsets = [6], sizes = [1], strides = [1]} : vector<16xi32> to vector<1xi32>
      %squeeze3A_160 = vector.extract %slice3A_159[0] : i32 from vector<1xi32>
      %eq3A_161 = vector.broadcast %squeeze3A_160 : i32 to vector<16xi32>
      %eq3A_162 = arith.cmpi eq, %iota3A, %eq3A_161 : vector<16xi32>
      %broadcast_in_dim3A_163 = vector.broadcast %scan3A : f32 to vector<16xf32>
      %broadcast_in_dim3A_164 = vector.broadcast %scan3A_13 : f32 to vector<16xf32>
      %select_n3A_165 = arith.select %eq3A_162, %broadcast_in_dim3A_163, %broadcast_in_dim3A_164 : vector<16xi1>, vector<16xf32>
      %add3A_166 = arith.addf %add3A_150, %select_n3A_165 : vector<16xf32>
      %slice3A_167 = vector.extract_strided_slice %mul3A_57 {offsets = [7], sizes = [1], strides = [1]} : vector<16xi32> to vector<1xi32>
      %squeeze3A_168 = vector.extract %slice3A_167[0] : i32 from vector<1xi32>
      %mul3A_169 = arith.constant 16 : i32
      %mul3A_170 = arith.muli %scan3A_47, %mul3A_169 : i32
      %add3A_171 = arith.constant 7 : i32
      %add3A_172 = arith.addi %mul3A_170, %add3A_171 : i32
      %swap3A_173 = arith.index_cast %add3A_172 : i32 to index
      %swap3A_174 = memref.load %arg11[%swap3A_173] : memref<192xi32, #tpu.memory_space<smem>>
      memref.store %squeeze3A_168, %arg11[%swap3A_173] : memref<192xi32, #tpu.memory_space<smem>>
      %slice3A_175 = vector.extract_strided_slice %get3A_52 {offsets = [7], sizes = [1], strides = [1]} : vector<16xi32> to vector<1xi32>
      %squeeze3A_176 = vector.extract %slice3A_175[0] : i32 from vector<1xi32>
      %eq3A_177 = vector.broadcast %squeeze3A_176 : i32 to vector<16xi32>
      %eq3A_178 = arith.cmpi eq, %iota3A, %eq3A_177 : vector<16xi32>
      %broadcast_in_dim3A_179 = vector.broadcast %scan3A : f32 to vector<16xf32>
      %broadcast_in_dim3A_180 = vector.broadcast %scan3A_13 : f32 to vector<16xf32>
      %select_n3A_181 = arith.select %eq3A_178, %broadcast_in_dim3A_179, %broadcast_in_dim3A_180 : vector<16xi1>, vector<16xf32>
      %add3A_182 = arith.addf %add3A_166, %select_n3A_181 : vector<16xf32>
      %slice3A_183 = vector.extract_strided_slice %mul3A_57 {offsets = [8], sizes = [1], strides = [1]} : vector<16xi32> to vector<1xi32>
      %squeeze3A_184 = vector.extract %slice3A_183[0] : i32 from vector<1xi32>
      %mul3A_185 = arith.constant 16 : i32
      %mul3A_186 = arith.muli %scan3A_47, %mul3A_185 : i32
      %add3A_187 = arith.constant 8 : i32
      %add3A_188 = arith.addi %mul3A_186, %add3A_187 : i32
      %swap3A_189 = arith.index_cast %add3A_188 : i32 to index
      %swap3A_190 = memref.load %arg11[%swap3A_189] : memref<192xi32, #tpu.memory_space<smem>>
      memref.store %squeeze3A_184, %arg11[%swap3A_189] : memref<192xi32, #tpu.memory_space<smem>>
      %slice3A_191 = vector.extract_strided_slice %get3A_52 {offsets = [8], sizes = [1], strides = [1]} : vector<16xi32> to vector<1xi32>
      %squeeze3A_192 = vector.extract %slice3A_191[0] : i32 from vector<1xi32>
      %eq3A_193 = vector.broadcast %squeeze3A_192 : i32 to vector<16xi32>
      %eq3A_194 = arith.cmpi eq, %iota3A, %eq3A_193 : vector<16xi32>
      %broadcast_in_dim3A_195 = vector.broadcast %scan3A : f32 to vector<16xf32>
      %broadcast_in_dim3A_196 = vector.broadcast %scan3A_13 : f32 to vector<16xf32>
      %select_n3A_197 = arith.select %eq3A_194, %broadcast_in_dim3A_195, %broadcast_in_dim3A_196 : vector<16xi1>, vector<16xf32>
      %add3A_198 = arith.addf %add3A_182, %select_n3A_197 : vector<16xf32>
      %slice3A_199 = vector.extract_strided_slice %mul3A_57 {offsets = [9], sizes = [1], strides = [1]} : vector<16xi32> to vector<1xi32>
      %squeeze3A_200 = vector.extract %slice3A_199[0] : i32 from vector<1xi32>
      %mul3A_201 = arith.constant 16 : i32
      %mul3A_202 = arith.muli %scan3A_47, %mul3A_201 : i32
      %add3A_203 = arith.constant 9 : i32
      %add3A_204 = arith.addi %mul3A_202, %add3A_203 : i32
      %swap3A_205 = arith.index_cast %add3A_204 : i32 to index
      %swap3A_206 = memref.load %arg11[%swap3A_205] : memref<192xi32, #tpu.memory_space<smem>>
      memref.store %squeeze3A_200, %arg11[%swap3A_205] : memref<192xi32, #tpu.memory_space<smem>>
      %slice3A_207 = vector.extract_strided_slice %get3A_52 {offsets = [9], sizes = [1], strides = [1]} : vector<16xi32> to vector<1xi32>
      %squeeze3A_208 = vector.extract %slice3A_207[0] : i32 from vector<1xi32>
      %eq3A_209 = vector.broadcast %squeeze3A_208 : i32 to vector<16xi32>
      %eq3A_210 = arith.cmpi eq, %iota3A, %eq3A_209 : vector<16xi32>
      %broadcast_in_dim3A_211 = vector.broadcast %scan3A : f32 to vector<16xf32>
      %broadcast_in_dim3A_212 = vector.broadcast %scan3A_13 : f32 to vector<16xf32>
      %select_n3A_213 = arith.select %eq3A_210, %broadcast_in_dim3A_211, %broadcast_in_dim3A_212 : vector<16xi1>, vector<16xf32>
      %add3A_214 = arith.addf %add3A_198, %select_n3A_213 : vector<16xf32>
      %slice3A_215 = vector.extract_strided_slice %mul3A_57 {offsets = [10], sizes = [1], strides = [1]} : vector<16xi32> to vector<1xi32>
      %squeeze3A_216 = vector.extract %slice3A_215[0] : i32 from vector<1xi32>
      %mul3A_217 = arith.constant 16 : i32
      %mul3A_218 = arith.muli %scan3A_47, %mul3A_217 : i32
      %add3A_219 = arith.constant 10 : i32
      %add3A_220 = arith.addi %mul3A_218, %add3A_219 : i32
      %swap3A_221 = arith.index_cast %add3A_220 : i32 to index
      %swap3A_222 = memref.load %arg11[%swap3A_221] : memref<192xi32, #tpu.memory_space<smem>>
      memref.store %squeeze3A_216, %arg11[%swap3A_221] : memref<192xi32, #tpu.memory_space<smem>>
      %slice3A_223 = vector.extract_strided_slice %get3A_52 {offsets = [10], sizes = [1], strides = [1]} : vector<16xi32> to vector<1xi32>
      %squeeze3A_224 = vector.extract %slice3A_223[0] : i32 from vector<1xi32>
      %eq3A_225 = vector.broadcast %squeeze3A_224 : i32 to vector<16xi32>
      %eq3A_226 = arith.cmpi eq, %iota3A, %eq3A_225 : vector<16xi32>
      %broadcast_in_dim3A_227 = vector.broadcast %scan3A : f32 to vector<16xf32>
      %broadcast_in_dim3A_228 = vector.broadcast %scan3A_13 : f32 to vector<16xf32>
      %select_n3A_229 = arith.select %eq3A_226, %broadcast_in_dim3A_227, %broadcast_in_dim3A_228 : vector<16xi1>, vector<16xf32>
      %add3A_230 = arith.addf %add3A_214, %select_n3A_229 : vector<16xf32>
      %slice3A_231 = vector.extract_strided_slice %mul3A_57 {offsets = [11], sizes = [1], strides = [1]} : vector<16xi32> to vector<1xi32>
      %squeeze3A_232 = vector.extract %slice3A_231[0] : i32 from vector<1xi32>
      %mul3A_233 = arith.constant 16 : i32
      %mul3A_234 = arith.muli %scan3A_47, %mul3A_233 : i32
      %add3A_235 = arith.constant 11 : i32
      %add3A_236 = arith.addi %mul3A_234, %add3A_235 : i32
      %swap3A_237 = arith.index_cast %add3A_236 : i32 to index
      %swap3A_238 = memref.load %arg11[%swap3A_237] : memref<192xi32, #tpu.memory_space<smem>>
      memref.store %squeeze3A_232, %arg11[%swap3A_237] : memref<192xi32, #tpu.memory_space<smem>>
      %slice3A_239 = vector.extract_strided_slice %get3A_52 {offsets = [11], sizes = [1], strides = [1]} : vector<16xi32> to vector<1xi32>
      %squeeze3A_240 = vector.extract %slice3A_239[0] : i32 from vector<1xi32>
      %eq3A_241 = vector.broadcast %squeeze3A_240 : i32 to vector<16xi32>
      %eq3A_242 = arith.cmpi eq, %iota3A, %eq3A_241 : vector<16xi32>
      %broadcast_in_dim3A_243 = vector.broadcast %scan3A : f32 to vector<16xf32>
      %broadcast_in_dim3A_244 = vector.broadcast %scan3A_13 : f32 to vector<16xf32>
      %select_n3A_245 = arith.select %eq3A_242, %broadcast_in_dim3A_243, %broadcast_in_dim3A_244 : vector<16xi1>, vector<16xf32>
      %add3A_246 = arith.addf %add3A_230, %select_n3A_245 : vector<16xf32>
      %slice3A_247 = vector.extract_strided_slice %mul3A_57 {offsets = [12], sizes = [1], strides = [1]} : vector<16xi32> to vector<1xi32>
      %squeeze3A_248 = vector.extract %slice3A_247[0] : i32 from vector<1xi32>
      %mul3A_249 = arith.constant 16 : i32
      %mul3A_250 = arith.muli %scan3A_47, %mul3A_249 : i32
      %add3A_251 = arith.constant 12 : i32
      %add3A_252 = arith.addi %mul3A_250, %add3A_251 : i32
      %swap3A_253 = arith.index_cast %add3A_252 : i32 to index
      %swap3A_254 = memref.load %arg11[%swap3A_253] : memref<192xi32, #tpu.memory_space<smem>>
      memref.store %squeeze3A_248, %arg11[%swap3A_253] : memref<192xi32, #tpu.memory_space<smem>>
      %slice3A_255 = vector.extract_strided_slice %get3A_52 {offsets = [12], sizes = [1], strides = [1]} : vector<16xi32> to vector<1xi32>
      %squeeze3A_256 = vector.extract %slice3A_255[0] : i32 from vector<1xi32>
      %eq3A_257 = vector.broadcast %squeeze3A_256 : i32 to vector<16xi32>
      %eq3A_258 = arith.cmpi eq, %iota3A, %eq3A_257 : vector<16xi32>
      %broadcast_in_dim3A_259 = vector.broadcast %scan3A : f32 to vector<16xf32>
      %broadcast_in_dim3A_260 = vector.broadcast %scan3A_13 : f32 to vector<16xf32>
      %select_n3A_261 = arith.select %eq3A_258, %broadcast_in_dim3A_259, %broadcast_in_dim3A_260 : vector<16xi1>, vector<16xf32>
      %add3A_262 = arith.addf %add3A_246, %select_n3A_261 : vector<16xf32>
      %slice3A_263 = vector.extract_strided_slice %mul3A_57 {offsets = [13], sizes = [1], strides = [1]} : vector<16xi32> to vector<1xi32>
      %squeeze3A_264 = vector.extract %slice3A_263[0] : i32 from vector<1xi32>
      %mul3A_265 = arith.constant 16 : i32
      %mul3A_266 = arith.muli %scan3A_47, %mul3A_265 : i32
      %add3A_267 = arith.constant 13 : i32
      %add3A_268 = arith.addi %mul3A_266, %add3A_267 : i32
      %swap3A_269 = arith.index_cast %add3A_268 : i32 to index
      %swap3A_270 = memref.load %arg11[%swap3A_269] : memref<192xi32, #tpu.memory_space<smem>>
      memref.store %squeeze3A_264, %arg11[%swap3A_269] : memref<192xi32, #tpu.memory_space<smem>>
      %slice3A_271 = vector.extract_strided_slice %get3A_52 {offsets = [13], sizes = [1], strides = [1]} : vector<16xi32> to vector<1xi32>
      %squeeze3A_272 = vector.extract %slice3A_271[0] : i32 from vector<1xi32>
      %eq3A_273 = vector.broadcast %squeeze3A_272 : i32 to vector<16xi32>
      %eq3A_274 = arith.cmpi eq, %iota3A, %eq3A_273 : vector<16xi32>
      %broadcast_in_dim3A_275 = vector.broadcast %scan3A : f32 to vector<16xf32>
      %broadcast_in_dim3A_276 = vector.broadcast %scan3A_13 : f32 to vector<16xf32>
      %select_n3A_277 = arith.select %eq3A_274, %broadcast_in_dim3A_275, %broadcast_in_dim3A_276 : vector<16xi1>, vector<16xf32>
      %add3A_278 = arith.addf %add3A_262, %select_n3A_277 : vector<16xf32>
      %slice3A_279 = vector.extract_strided_slice %mul3A_57 {offsets = [14], sizes = [1], strides = [1]} : vector<16xi32> to vector<1xi32>
      %squeeze3A_280 = vector.extract %slice3A_279[0] : i32 from vector<1xi32>
      %mul3A_281 = arith.constant 16 : i32
      %mul3A_282 = arith.muli %scan3A_47, %mul3A_281 : i32
      %add3A_283 = arith.constant 14 : i32
      %add3A_284 = arith.addi %mul3A_282, %add3A_283 : i32
      %swap3A_285 = arith.index_cast %add3A_284 : i32 to index
      %swap3A_286 = memref.load %arg11[%swap3A_285] : memref<192xi32, #tpu.memory_space<smem>>
      memref.store %squeeze3A_280, %arg11[%swap3A_285] : memref<192xi32, #tpu.memory_space<smem>>
      %slice3A_287 = vector.extract_strided_slice %get3A_52 {offsets = [14], sizes = [1], strides = [1]} : vector<16xi32> to vector<1xi32>
      %squeeze3A_288 = vector.extract %slice3A_287[0] : i32 from vector<1xi32>
      %eq3A_289 = vector.broadcast %squeeze3A_288 : i32 to vector<16xi32>
      %eq3A_290 = arith.cmpi eq, %iota3A, %eq3A_289 : vector<16xi32>
      %broadcast_in_dim3A_291 = vector.broadcast %scan3A : f32 to vector<16xf32>
      %broadcast_in_dim3A_292 = vector.broadcast %scan3A_13 : f32 to vector<16xf32>
      %select_n3A_293 = arith.select %eq3A_290, %broadcast_in_dim3A_291, %broadcast_in_dim3A_292 : vector<16xi1>, vector<16xf32>
      %add3A_294 = arith.addf %add3A_278, %select_n3A_293 : vector<16xf32>
      %slice3A_295 = vector.extract_strided_slice %mul3A_57 {offsets = [15], sizes = [1], strides = [1]} : vector<16xi32> to vector<1xi32>
      %squeeze3A_296 = vector.extract %slice3A_295[0] : i32 from vector<1xi32>
      %mul3A_297 = arith.constant 16 : i32
      %mul3A_298 = arith.muli %scan3A_47, %mul3A_297 : i32
      %add3A_299 = arith.constant 15 : i32
      %add3A_300 = arith.addi %mul3A_298, %add3A_299 : i32
      %swap3A_301 = arith.index_cast %add3A_300 : i32 to index
      %swap3A_302 = memref.load %arg11[%swap3A_301] : memref<192xi32, #tpu.memory_space<smem>>
      memref.store %squeeze3A_296, %arg11[%swap3A_301] : memref<192xi32, #tpu.memory_space<smem>>
      %slice3A_303 = vector.extract_strided_slice %get3A_52 {offsets = [15], sizes = [1], strides = [1]} : vector<16xi32> to vector<1xi32>
      %squeeze3A_304 = vector.extract %slice3A_303[0] : i32 from vector<1xi32>
      %eq3A_305 = vector.broadcast %squeeze3A_304 : i32 to vector<16xi32>
      %eq3A_306 = arith.cmpi eq, %iota3A, %eq3A_305 : vector<16xi32>
      %broadcast_in_dim3A_307 = vector.broadcast %scan3A : f32 to vector<16xf32>
      %broadcast_in_dim3A_308 = vector.broadcast %scan3A_13 : f32 to vector<16xf32>
      %select_n3A_309 = arith.select %eq3A_306, %broadcast_in_dim3A_307, %broadcast_in_dim3A_308 : vector<16xi1>, vector<16xf32>
      %add3A_310 = arith.addf %add3A_294, %select_n3A_309 : vector<16xf32>
      scf.yield %add3A_310 : vector<16xf32>
    }
    %scan3A_19 = arith.constant 12 : i32
    %broadcast_in_dim3A_20 = arith.constant 0.000000e+00 : f32
    %broadcast_in_dim3A_21 = vector.broadcast %broadcast_in_dim3A_20 : f32 to vector<16xf32>
    %broadcast_in_dim3A_22 = arith.constant 0.000000e+00 : f32
    %broadcast_in_dim3A_23 = vector.broadcast %broadcast_in_dim3A_22 : f32 to vector<16xf32>
    %broadcast_in_dim3A_24 = arith.constant 0.000000e+00 : f32
    %broadcast_in_dim3A_25 = vector.broadcast %broadcast_in_dim3A_24 : f32 to vector<16xf32>
    %broadcast_in_dim3A_26 = arith.constant 0.000000e+00 : f32
    %broadcast_in_dim3A_27 = vector.broadcast %broadcast_in_dim3A_26 : f32 to vector<16xf32>
    %scan3A_28 = arith.constant 0 : i32
    %scan3A_29 = arith.constant 2 : i32
    %scan3A_30 = arith.addi %scan3A_28, %scan3A_29 : i32
    %scan3A_31 = arith.constant 1 : i32
    %scan3A_32:4 = scf.for %scan3A_47 = %scan3A_28 to %scan3A_30 step %scan3A_31 iter_args(%scan3A_48 = %broadcast_in_dim3A_21, %scan3A_49 = %broadcast_in_dim3A_23, %scan3A_50 = %broadcast_in_dim3A_25, %scan3A_51 = %broadcast_in_dim3A_27) -> (vector<16xf32>, vector<16xf32>, vector<16xf32>, vector<16xf32>)  : i32 {
      %mul3A_52 = arith.constant 2 : i32
      %mul3A_53 = arith.muli %mul3A_52, %scan3A_47 : i32
      %add3A_54 = arith.constant 0 : i32
      %add3A_55 = arith.addi %mul3A_53, %add3A_54 : i32
      %dma_wait3A = arith.constant 0 : i32
      %dma_wait3A_56 = arith.constant 0 : i32
      %dma_wait3A_57 = tpu.memref_slice %arg2[%dma_wait3A, %dma_wait3A_56] : memref<16384x640xf32, #tpu.memory_space<hbm>> -> memref<48x640xf32, #tpu.memory_space<hbm>>
      %dma_wait3A_58 = arith.constant 0 : i32
      %dma_wait3A_59 = arith.constant 0 : i32
      %dma_wait3A_60 = tpu.memref_slice %arg2[%dma_wait3A_58, %dma_wait3A_59] : memref<16384x640xf32, #tpu.memory_space<hbm>> -> memref<48x640xf32, #tpu.memory_space<hbm>>
      tpu.wait_dma2 semaphore(%arg12 : memref<!tpu.dma_semaphore, #tpu.memory_space<semaphore_mem>>) src(%dma_wait3A_60 : memref<48x640xf32, #tpu.memory_space<hbm>>) dst(%arg6 : memref<48x640xf32, #tpu.memory_space<vmem>>)
      %scan3A_61 = arith.constant 0 : i32
      %scan3A_62 = arith.constant 48 : i32
      %scan3A_63 = arith.addi %scan3A_61, %scan3A_62 : i32
      %scan3A_64 = arith.constant 1 : i32
      %scan3A_65:4 = scf.for %scan3A_95 = %scan3A_61 to %scan3A_63 step %scan3A_64 iter_args(%scan3A_96 = %scan3A_48, %scan3A_97 = %scan3A_49, %scan3A_98 = %scan3A_50, %scan3A_99 = %scan3A_51) -> (vector<16xf32>, vector<16xf32>, vector<16xf32>, vector<16xf32>)  : i32 {
        %mul3A_100 = arith.constant 48 : i32
        %mul3A_101 = arith.muli %add3A_55, %mul3A_100 : i32
        %add3A_102 = arith.addi %mul3A_101, %scan3A_95 : i32
        %get3A = arith.index_cast %add3A_102 : i32 to index
        %get3A_103 = memref.load %arg11[%get3A] : memref<192xi32, #tpu.memory_space<smem>>
        %get3A_104 = arith.index_cast %scan3A_95 : i32 to index
        %get3A_105 = arith.constant 0 : index
        %get3A_106 = tpu.vector_load %arg6[%get3A_104, %get3A_105] {strides = array<i32>} : memref<48x640xf32, #tpu.memory_space<vmem>>, vector<1x16xf32>,
        %get3A_107 = vector.shape_cast %get3A_106 : vector<1x16xf32> to vector<16xf32>
        %add3A_108 = arith.constant 0 : i32
        %add3A_109 = arith.addi %get3A_103, %add3A_108 : i32
        %get3A_110 = arith.index_cast %add3A_109 : i32 to index
        %get3A_111 = tpu.vector_load %arg8[%get3A_110] {strides = array<i32>} : memref<3840xf32, #tpu.memory_space<vmem>>, vector<16xf32>,
        %get3A_112 = vector.shape_cast %get3A_111 : vector<16xf32> to vector<16xf32>
        %sub3A = arith.subf %get3A_107, %get3A_112 : vector<16xf32>
        %mul3A_113 = arith.mulf %sub3A, %sub3A : vector<16xf32>
        %add3A_114 = arith.addf %scan3A_96, %mul3A_113 : vector<16xf32>
        %get3A_115 = arith.index_cast %scan3A_95 : i32 to index
        %get3A_116 = arith.constant 16 : index
        %get3A_117 = tpu.vector_load %arg6[%get3A_115, %get3A_116] {strides = array<i32>} : memref<48x640xf32, #tpu.memory_space<vmem>>, vector<1x16xf32>,
        %get3A_118 = vector.shape_cast %get3A_117 : vector<1x16xf32> to vector<16xf32>
        %add3A_119 = arith.constant 16 : i32
        %add3A_120 = arith.addi %get3A_103, %add3A_119 : i32
        %get3A_121 = arith.index_cast %add3A_120 : i32 to index
        %get3A_122 = tpu.vector_load %arg8[%get3A_121] {strides = array<i32>} : memref<3840xf32, #tpu.memory_space<vmem>>, vector<16xf32>,
        %get3A_123 = vector.shape_cast %get3A_122 : vector<16xf32> to vector<16xf32>
        %sub3A_124 = arith.subf %get3A_118, %get3A_123 : vector<16xf32>
        %mul3A_125 = arith.mulf %sub3A_124, %sub3A_124 : vector<16xf32>
        %add3A_126 = arith.addf %scan3A_97, %mul3A_125 : vector<16xf32>
        %get3A_127 = arith.index_cast %scan3A_95 : i32 to index
        %get3A_128 = arith.constant 32 : index
        %get3A_129 = tpu.vector_load %arg6[%get3A_127, %get3A_128] {strides = array<i32>} : memref<48x640xf32, #tpu.memory_space<vmem>>, vector<1x16xf32>,
        %get3A_130 = vector.shape_cast %get3A_129 : vector<1x16xf32> to vector<16xf32>
        %add3A_131 = arith.constant 32 : i32
        %add3A_132 = arith.addi %get3A_103, %add3A_131 : i32
        %get3A_133 = arith.index_cast %add3A_132 : i32 to index
        %get3A_134 = tpu.vector_load %arg8[%get3A_133] {strides = array<i32>} : memref<3840xf32, #tpu.memory_space<vmem>>, vector<16xf32>,
        %get3A_135 = vector.shape_cast %get3A_134 : vector<16xf32> to vector<16xf32>
        %sub3A_136 = arith.subf %get3A_130, %get3A_135 : vector<16xf32>
        %mul3A_137 = arith.mulf %sub3A_136, %sub3A_136 : vector<16xf32>
        %add3A_138 = arith.addf %scan3A_98, %mul3A_137 : vector<16xf32>
        %get3A_139 = arith.index_cast %scan3A_95 : i32 to index
        %get3A_140 = arith.constant 48 : index
        %get3A_141 = tpu.vector_load %arg6[%get3A_139, %get3A_140] {strides = array<i32>} : memref<48x640xf32, #tpu.memory_space<vmem>>, vector<1x16xf32>,
        %get3A_142 = vector.shape_cast %get3A_141 : vector<1x16xf32> to vector<16xf32>
        %add3A_143 = arith.constant 48 : i32
        %add3A_144 = arith.addi %get3A_103, %add3A_143 : i32
        %get3A_145 = arith.index_cast %add3A_144 : i32 to index
        %get3A_146 = tpu.vector_load %arg8[%get3A_145] {strides = array<i32>} : memref<3840xf32, #tpu.memory_space<vmem>>, vector<16xf32>,
        %get3A_147 = vector.shape_cast %get3A_146 : vector<16xf32> to vector<16xf32>
        %sub3A_148 = arith.subf %get3A_142, %get3A_147 : vector<16xf32>
        %mul3A_149 = arith.mulf %sub3A_148, %sub3A_148 : vector<16xf32>
        %add3A_150 = arith.addf %scan3A_99, %mul3A_149 : vector<16xf32>
        %get3A_151 = arith.index_cast %scan3A_95 : i32 to index
        %get3A_152 = arith.constant 64 : index
        %get3A_153 = tpu.vector_load %arg6[%get3A_151, %get3A_152] {strides = array<i32>} : memref<48x640xf32, #tpu.memory_space<vmem>>, vector<1x16xf32>,
        %get3A_154 = vector.shape_cast %get3A_153 : vector<1x16xf32> to vector<16xf32>
        %add3A_155 = arith.constant 64 : i32
        %add3A_156 = arith.addi %get3A_103, %add3A_155 : i32
        %get3A_157 = arith.index_cast %add3A_156 : i32 to index
        %get3A_158 = tpu.vector_load %arg8[%get3A_157] {strides = array<i32>} : memref<3840xf32, #tpu.memory_space<vmem>>, vector<16xf32>,
        %get3A_159 = vector.shape_cast %get3A_158 : vector<16xf32> to vector<16xf32>
        %sub3A_160 = arith.subf %get3A_154, %get3A_159 : vector<16xf32>
        %mul3A_161 = arith.mulf %sub3A_160, %sub3A_160 : vector<16xf32>
        %add3A_162 = arith.addf %add3A_114, %mul3A_161 : vector<16xf32>
        %get3A_163 = arith.index_cast %scan3A_95 : i32 to index
        %get3A_164 = arith.constant 80 : index
        %get3A_165 = tpu.vector_load %arg6[%get3A_163, %get3A_164] {strides = array<i32>} : memref<48x640xf32, #tpu.memory_space<vmem>>, vector<1x16xf32>,
        %get3A_166 = vector.shape_cast %get3A_165 : vector<1x16xf32> to vector<16xf32>
        %add3A_167 = arith.constant 80 : i32
        %add3A_168 = arith.addi %get3A_103, %add3A_167 : i32
        %get3A_169 = arith.index_cast %add3A_168 : i32 to index
        %get3A_170 = tpu.vector_load %arg8[%get3A_169] {strides = array<i32>} : memref<3840xf32, #tpu.memory_space<vmem>>, vector<16xf32>,
        %get3A_171 = vector.shape_cast %get3A_170 : vector<16xf32> to vector<16xf32>
        %sub3A_172 = arith.subf %get3A_166, %get3A_171 : vector<16xf32>
        %mul3A_173 = arith.mulf %sub3A_172, %sub3A_172 : vector<16xf32>
        %add3A_174 = arith.addf %add3A_126, %mul3A_173 : vector<16xf32>
        %get3A_175 = arith.index_cast %scan3A_95 : i32 to index
        %get3A_176 = arith.constant 96 : index
        %get3A_177 = tpu.vector_load %arg6[%get3A_175, %get3A_176] {strides = array<i32>} : memref<48x640xf32, #tpu.memory_space<vmem>>, vector<1x16xf32>,
        %get3A_178 = vector.shape_cast %get3A_177 : vector<1x16xf32> to vector<16xf32>
        %add3A_179 = arith.constant 96 : i32
        %add3A_180 = arith.addi %get3A_103, %add3A_179 : i32
        %get3A_181 = arith.index_cast %add3A_180 : i32 to index
        %get3A_182 = tpu.vector_load %arg8[%get3A_181] {strides = array<i32>} : memref<3840xf32, #tpu.memory_space<vmem>>, vector<16xf32>,
        %get3A_183 = vector.shape_cast %get3A_182 : vector<16xf32> to vector<16xf32>
        %sub3A_184 = arith.subf %get3A_178, %get3A_183 : vector<16xf32>
        %mul3A_185 = arith.mulf %sub3A_184, %sub3A_184 : vector<16xf32>
        %add3A_186 = arith.addf %add3A_138, %mul3A_185 : vector<16xf32>
        %get3A_187 = arith.index_cast %scan3A_95 : i32 to index
        %get3A_188 = arith.constant 112 : index
        %get3A_189 = tpu.vector_load %arg6[%get3A_187, %get3A_188] {strides = array<i32>} : memref<48x640xf32, #tpu.memory_space<vmem>>, vector<1x16xf32>,
        %get3A_190 = vector.shape_cast %get3A_189 : vector<1x16xf32> to vector<16xf32>
        %add3A_191 = arith.constant 112 : i32
        %add3A_192 = arith.addi %get3A_103, %add3A_191 : i32
        %get3A_193 = arith.index_cast %add3A_192 : i32 to index
        %get3A_194 = tpu.vector_load %arg8[%get3A_193] {strides = array<i32>} : memref<3840xf32, #tpu.memory_space<vmem>>, vector<16xf32>,
        %get3A_195 = vector.shape_cast %get3A_194 : vector<16xf32> to vector<16xf32>
        %sub3A_196 = arith.subf %get3A_190, %get3A_195 : vector<16xf32>
        %mul3A_197 = arith.mulf %sub3A_196, %sub3A_196 : vector<16xf32>
        %add3A_198 = arith.addf %add3A_150, %mul3A_197 : vector<16xf32>
        %get3A_199 = arith.index_cast %scan3A_95 : i32 to index
        %get3A_200 = arith.constant 128 : index
        %get3A_201 = tpu.vector_load %arg6[%get3A_199, %get3A_200] {strides = array<i32>} : memref<48x640xf32, #tpu.memory_space<vmem>>, vector<1x16xf32>,
        %get3A_202 = vector.shape_cast %get3A_201 : vector<1x16xf32> to vector<16xf32>
        %add3A_203 = arith.constant 128 : i32
        %add3A_204 = arith.addi %get3A_103, %add3A_203 : i32
        %get3A_205 = arith.index_cast %add3A_204 : i32 to index
        %get3A_206 = tpu.vector_load %arg8[%get3A_205] {strides = array<i32>} : memref<3840xf32, #tpu.memory_space<vmem>>, vector<16xf32>,
        %get3A_207 = vector.shape_cast %get3A_206 : vector<16xf32> to vector<16xf32>
        %sub3A_208 = arith.subf %get3A_202, %get3A_207 : vector<16xf32>
        %mul3A_209 = arith.mulf %sub3A_208, %sub3A_208 : vector<16xf32>
        %add3A_210 = arith.addf %add3A_162, %mul3A_209 : vector<16xf32>
        %get3A_211 = arith.index_cast %scan3A_95 : i32 to index
        %get3A_212 = arith.constant 144 : index
        %get3A_213 = tpu.vector_load %arg6[%get3A_211, %get3A_212] {strides = array<i32>} : memref<48x640xf32, #tpu.memory_space<vmem>>, vector<1x16xf32>,
        %get3A_214 = vector.shape_cast %get3A_213 : vector<1x16xf32> to vector<16xf32>
        %add3A_215 = arith.constant 144 : i32
        %add3A_216 = arith.addi %get3A_103, %add3A_215 : i32
        %get3A_217 = arith.index_cast %add3A_216 : i32 to index
        %get3A_218 = tpu.vector_load %arg8[%get3A_217] {strides = array<i32>} : memref<3840xf32, #tpu.memory_space<vmem>>, vector<16xf32>,
        %get3A_219 = vector.shape_cast %get3A_218 : vector<16xf32> to vector<16xf32>
        %sub3A_220 = arith.subf %get3A_214, %get3A_219 : vector<16xf32>
        %mul3A_221 = arith.mulf %sub3A_220, %sub3A_220 : vector<16xf32>
        %add3A_222 = arith.addf %add3A_174, %mul3A_221 : vector<16xf32>
        %get3A_223 = arith.index_cast %scan3A_95 : i32 to index
        %get3A_224 = arith.constant 160 : index
        %get3A_225 = tpu.vector_load %arg6[%get3A_223, %get3A_224] {strides = array<i32>} : memref<48x640xf32, #tpu.memory_space<vmem>>, vector<1x16xf32>,
        %get3A_226 = vector.shape_cast %get3A_225 : vector<1x16xf32> to vector<16xf32>
        %add3A_227 = arith.constant 160 : i32
        %add3A_228 = arith.addi %get3A_103, %add3A_227 : i32
        %get3A_229 = arith.index_cast %add3A_228 : i32 to index
        %get3A_230 = tpu.vector_load %arg8[%get3A_229] {strides = array<i32>} : memref<3840xf32, #tpu.memory_space<vmem>>, vector<16xf32>,
        %get3A_231 = vector.shape_cast %get3A_230 : vector<16xf32> to vector<16xf32>
        %sub3A_232 = arith.subf %get3A_226, %get3A_231 : vector<16xf32>
        %mul3A_233 = arith.mulf %sub3A_232, %sub3A_232 : vector<16xf32>
        %add3A_234 = arith.addf %add3A_186, %mul3A_233 : vector<16xf32>
        %get3A_235 = arith.index_cast %scan3A_95 : i32 to index
        %get3A_236 = arith.constant 176 : index
        %get3A_237 = tpu.vector_load %arg6[%get3A_235, %get3A_236] {strides = array<i32>} : memref<48x640xf32, #tpu.memory_space<vmem>>, vector<1x16xf32>,
        %get3A_238 = vector.shape_cast %get3A_237 : vector<1x16xf32> to vector<16xf32>
        %add3A_239 = arith.constant 176 : i32
        %add3A_240 = arith.addi %get3A_103, %add3A_239 : i32
        %get3A_241 = arith.index_cast %add3A_240 : i32 to index
        %get3A_242 = tpu.vector_load %arg8[%get3A_241] {strides = array<i32>} : memref<3840xf32, #tpu.memory_space<vmem>>, vector<16xf32>,
        %get3A_243 = vector.shape_cast %get3A_242 : vector<16xf32> to vector<16xf32>
        %sub3A_244 = arith.subf %get3A_238, %get3A_243 : vector<16xf32>
        %mul3A_245 = arith.mulf %sub3A_244, %sub3A_244 : vector<16xf32>
        %add3A_246 = arith.addf %add3A_198, %mul3A_245 : vector<16xf32>
        %get3A_247 = arith.index_cast %scan3A_95 : i32 to index
        %get3A_248 = arith.constant 192 : index
        %get3A_249 = tpu.vector_load %arg6[%get3A_247, %get3A_248] {strides = array<i32>} : memref<48x640xf32, #tpu.memory_space<vmem>>, vector<1x16xf32>,
        %get3A_250 = vector.shape_cast %get3A_249 : vector<1x16xf32> to vector<16xf32>
        %add3A_251 = arith.constant 192 : i32
        %add3A_252 = arith.addi %get3A_103, %add3A_251 : i32
        %get3A_253 = arith.index_cast %add3A_252 : i32 to index
        %get3A_254 = tpu.vector_load %arg8[%get3A_253] {strides = array<i32>} : memref<3840xf32, #tpu.memory_space<vmem>>, vector<16xf32>,
        %get3A_255 = vector.shape_cast %get3A_254 : vector<16xf32> to vector<16xf32>
        %sub3A_256 = arith.subf %get3A_250, %get3A_255 : vector<16xf32>
        %mul3A_257 = arith.mulf %sub3A_256, %sub3A_256 : vector<16xf32>
        %add3A_258 = arith.addf %add3A_210, %mul3A_257 : vector<16xf32>
        %get3A_259 = arith.index_cast %scan3A_95 : i32 to index
        %get3A_260 = arith.constant 208 : index
        %get3A_261 = tpu.vector_load %arg6[%get3A_259, %get3A_260] {strides = array<i32>} : memref<48x640xf32, #tpu.memory_space<vmem>>, vector<1x16xf32>,
        %get3A_262 = vector.shape_cast %get3A_261 : vector<1x16xf32> to vector<16xf32>
        %add3A_263 = arith.constant 208 : i32
        %add3A_264 = arith.addi %get3A_103, %add3A_263 : i32
        %get3A_265 = arith.index_cast %add3A_264 : i32 to index
        %get3A_266 = tpu.vector_load %arg8[%get3A_265] {strides = array<i32>} : memref<3840xf32, #tpu.memory_space<vmem>>, vector<16xf32>,
        %get3A_267 = vector.shape_cast %get3A_266 : vector<16xf32> to vector<16xf32>
        %sub3A_268 = arith.subf %get3A_262, %get3A_267 : vector<16xf32>
        %mul3A_269 = arith.mulf %sub3A_268, %sub3A_268 : vector<16xf32>
        %add3A_270 = arith.addf %add3A_222, %mul3A_269 : vector<16xf32>
        %get3A_271 = arith.index_cast %scan3A_95 : i32 to index
        %get3A_272 = arith.constant 224 : index
        %get3A_273 = tpu.vector_load %arg6[%get3A_271, %get3A_272] {strides = array<i32>} : memref<48x640xf32, #tpu.memory_space<vmem>>, vector<1x16xf32>,
        %get3A_274 = vector.shape_cast %get3A_273 : vector<1x16xf32> to vector<16xf32>
        %add3A_275 = arith.constant 224 : i32
        %add3A_276 = arith.addi %get3A_103, %add3A_275 : i32
        %get3A_277 = arith.index_cast %add3A_276 : i32 to index
        %get3A_278 = tpu.vector_load %arg8[%get3A_277] {strides = array<i32>} : memref<3840xf32, #tpu.memory_space<vmem>>, vector<16xf32>,
        %get3A_279 = vector.shape_cast %get3A_278 : vector<16xf32> to vector<16xf32>
        %sub3A_280 = arith.subf %get3A_274, %get3A_279 : vector<16xf32>
        %mul3A_281 = arith.mulf %sub3A_280, %sub3A_280 : vector<16xf32>
        %add3A_282 = arith.addf %add3A_234, %mul3A_281 : vector<16xf32>
        %get3A_283 = arith.index_cast %scan3A_95 : i32 to index
        %get3A_284 = arith.constant 240 : index
        %get3A_285 = tpu.vector_load %arg6[%get3A_283, %get3A_284] {strides = array<i32>} : memref<48x640xf32, #tpu.memory_space<vmem>>, vector<1x16xf32>,
        %get3A_286 = vector.shape_cast %get3A_285 : vector<1x16xf32> to vector<16xf32>
        %add3A_287 = arith.constant 240 : i32
        %add3A_288 = arith.addi %get3A_103, %add3A_287 : i32
        %get3A_289 = arith.index_cast %add3A_288 : i32 to index
        %get3A_290 = tpu.vector_load %arg8[%get3A_289] {strides = array<i32>} : memref<3840xf32, #tpu.memory_space<vmem>>, vector<16xf32>,
        %get3A_291 = vector.shape_cast %get3A_290 : vector<16xf32> to vector<16xf32>
        %sub3A_292 = arith.subf %get3A_286, %get3A_291 : vector<16xf32>
        %mul3A_293 = arith.mulf %sub3A_292, %sub3A_292 : vector<16xf32>
        %add3A_294 = arith.addf %add3A_246, %mul3A_293 : vector<16xf32>
        %get3A_295 = arith.index_cast %scan3A_95 : i32 to index
        %get3A_296 = arith.constant 256 : index
        %get3A_297 = tpu.vector_load %arg6[%get3A_295, %get3A_296] {strides = array<i32>} : memref<48x640xf32, #tpu.memory_space<vmem>>, vector<1x16xf32>,
        %get3A_298 = vector.shape_cast %get3A_297 : vector<1x16xf32> to vector<16xf32>
        %add3A_299 = arith.constant 256 : i32
        %add3A_300 = arith.addi %get3A_103, %add3A_299 : i32
        %get3A_301 = arith.index_cast %add3A_300 : i32 to index
        %get3A_302 = tpu.vector_load %arg8[%get3A_301] {strides = array<i32>} : memref<3840xf32, #tpu.memory_space<vmem>>, vector<16xf32>,
        %get3A_303 = vector.shape_cast %get3A_302 : vector<16xf32> to vector<16xf32>
        %sub3A_304 = arith.subf %get3A_298, %get3A_303 : vector<16xf32>
        %mul3A_305 = arith.mulf %sub3A_304, %sub3A_304 : vector<16xf32>
        %add3A_306 = arith.addf %add3A_258, %mul3A_305 : vector<16xf32>
        %get3A_307 = arith.index_cast %scan3A_95 : i32 to index
        %get3A_308 = arith.constant 272 : index
        %get3A_309 = tpu.vector_load %arg6[%get3A_307, %get3A_308] {strides = array<i32>} : memref<48x640xf32, #tpu.memory_space<vmem>>, vector<1x16xf32>,
        %get3A_310 = vector.shape_cast %get3A_309 : vector<1x16xf32> to vector<16xf32>
        %add3A_311 = arith.constant 272 : i32
        %add3A_312 = arith.addi %get3A_103, %add3A_311 : i32
        %get3A_313 = arith.index_cast %add3A_312 : i32 to index
        %get3A_314 = tpu.vector_load %arg8[%get3A_313] {strides = array<i32>} : memref<3840xf32, #tpu.memory_space<vmem>>, vector<16xf32>,
        %get3A_315 = vector.shape_cast %get3A_314 : vector<16xf32> to vector<16xf32>
        %sub3A_316 = arith.subf %get3A_310, %get3A_315 : vector<16xf32>
        %mul3A_317 = arith.mulf %sub3A_316, %sub3A_316 : vector<16xf32>
        %add3A_318 = arith.addf %add3A_270, %mul3A_317 : vector<16xf32>
        %get3A_319 = arith.index_cast %scan3A_95 : i32 to index
        %get3A_320 = arith.constant 288 : index
        %get3A_321 = tpu.vector_load %arg6[%get3A_319, %get3A_320] {strides = array<i32>} : memref<48x640xf32, #tpu.memory_space<vmem>>, vector<1x16xf32>,
        %get3A_322 = vector.shape_cast %get3A_321 : vector<1x16xf32> to vector<16xf32>
        %add3A_323 = arith.constant 288 : i32
        %add3A_324 = arith.addi %get3A_103, %add3A_323 : i32
        %get3A_325 = arith.index_cast %add3A_324 : i32 to index
        %get3A_326 = tpu.vector_load %arg8[%get3A_325] {strides = array<i32>} : memref<3840xf32, #tpu.memory_space<vmem>>, vector<16xf32>,
        %get3A_327 = vector.shape_cast %get3A_326 : vector<16xf32> to vector<16xf32>
        %sub3A_328 = arith.subf %get3A_322, %get3A_327 : vector<16xf32>
        %mul3A_329 = arith.mulf %sub3A_328, %sub3A_328 : vector<16xf32>
        %add3A_330 = arith.addf %add3A_282, %mul3A_329 : vector<16xf32>
        %get3A_331 = arith.index_cast %scan3A_95 : i32 to index
        %get3A_332 = arith.constant 304 : index
        %get3A_333 = tpu.vector_load %arg6[%get3A_331, %get3A_332] {strides = array<i32>} : memref<48x640xf32, #tpu.memory_space<vmem>>, vector<1x16xf32>,
        %get3A_334 = vector.shape_cast %get3A_333 : vector<1x16xf32> to vector<16xf32>
        %add3A_335 = arith.constant 304 : i32
        %add3A_336 = arith.addi %get3A_103, %add3A_335 : i32
        %get3A_337 = arith.index_cast %add3A_336 : i32 to index
        %get3A_338 = tpu.vector_load %arg8[%get3A_337] {strides = array<i32>} : memref<3840xf32, #tpu.memory_space<vmem>>, vector<16xf32>,
        %get3A_339 = vector.shape_cast %get3A_338 : vector<16xf32> to vector<16xf32>
        %sub3A_340 = arith.subf %get3A_334, %get3A_339 : vector<16xf32>
        %mul3A_341 = arith.mulf %sub3A_340, %sub3A_340 : vector<16xf32>
        %add3A_342 = arith.addf %add3A_294, %mul3A_341 : vector<16xf32>
        %get3A_343 = arith.index_cast %scan3A_95 : i32 to index
        %get3A_344 = arith.constant 320 : index
        %get3A_345 = tpu.vector_load %arg6[%get3A_343, %get3A_344] {strides = array<i32>} : memref<48x640xf32, #tpu.memory_space<vmem>>, vector<1x16xf32>,
        %get3A_346 = vector.shape_cast %get3A_345 : vector<1x16xf32> to vector<16xf32>
        %add3A_347 = arith.constant 320 : i32
        %add3A_348 = arith.addi %get3A_103, %add3A_347 : i32
        %get3A_349 = arith.index_cast %add3A_348 : i32 to index
        %get3A_350 = tpu.vector_load %arg8[%get3A_349] {strides = array<i32>} : memref<3840xf32, #tpu.memory_space<vmem>>, vector<16xf32>,
        %get3A_351 = vector.shape_cast %get3A_350 : vector<16xf32> to vector<16xf32>
        %sub3A_352 = arith.subf %get3A_346, %get3A_351 : vector<16xf32>
        %mul3A_353 = arith.mulf %sub3A_352, %sub3A_352 : vector<16xf32>
        %add3A_354 = arith.addf %add3A_306, %mul3A_353 : vector<16xf32>
        %get3A_355 = arith.index_cast %scan3A_95 : i32 to index
        %get3A_356 = arith.constant 336 : index
        %get3A_357 = tpu.vector_load %arg6[%get3A_355, %get3A_356] {strides = array<i32>} : memref<48x640xf32, #tpu.memory_space<vmem>>, vector<1x16xf32>,
        %get3A_358 = vector.shape_cast %get3A_357 : vector<1x16xf32> to vector<16xf32>
        %add3A_359 = arith.constant 336 : i32
        %add3A_360 = arith.addi %get3A_103, %add3A_359 : i32
        %get3A_361 = arith.index_cast %add3A_360 : i32 to index
        %get3A_362 = tpu.vector_load %arg8[%get3A_361] {strides = array<i32>} : memref<3840xf32, #tpu.memory_space<vmem>>, vector<16xf32>,
        %get3A_363 = vector.shape_cast %get3A_362 : vector<16xf32> to vector<16xf32>
        %sub3A_364 = arith.subf %get3A_358, %get3A_363 : vector<16xf32>
        %mul3A_365 = arith.mulf %sub3A_364, %sub3A_364 : vector<16xf32>
        %add3A_366 = arith.addf %add3A_318, %mul3A_365 : vector<16xf32>
        %get3A_367 = arith.index_cast %scan3A_95 : i32 to index
        %get3A_368 = arith.constant 352 : index
        %get3A_369 = tpu.vector_load %arg6[%get3A_367, %get3A_368] {strides = array<i32>} : memref<48x640xf32, #tpu.memory_space<vmem>>, vector<1x16xf32>,
        %get3A_370 = vector.shape_cast %get3A_369 : vector<1x16xf32> to vector<16xf32>
        %add3A_371 = arith.constant 352 : i32
        %add3A_372 = arith.addi %get3A_103, %add3A_371 : i32
        %get3A_373 = arith.index_cast %add3A_372 : i32 to index
        %get3A_374 = tpu.vector_load %arg8[%get3A_373] {strides = array<i32>} : memref<3840xf32, #tpu.memory_space<vmem>>, vector<16xf32>,
        %get3A_375 = vector.shape_cast %get3A_374 : vector<16xf32> to vector<16xf32>
        %sub3A_376 = arith.subf %get3A_370, %get3A_375 : vector<16xf32>
        %mul3A_377 = arith.mulf %sub3A_376, %sub3A_376 : vector<16xf32>
        %add3A_378 = arith.addf %add3A_330, %mul3A_377 : vector<16xf32>
        %get3A_379 = arith.index_cast %scan3A_95 : i32 to index
        %get3A_380 = arith.constant 368 : index
        %get3A_381 = tpu.vector_load %arg6[%get3A_379, %get3A_380] {strides = array<i32>} : memref<48x640xf32, #tpu.memory_space<vmem>>, vector<1x16xf32>,
        %get3A_382 = vector.shape_cast %get3A_381 : vector<1x16xf32> to vector<16xf32>
        %add3A_383 = arith.constant 368 : i32
        %add3A_384 = arith.addi %get3A_103, %add3A_383 : i32
        %get3A_385 = arith.index_cast %add3A_384 : i32 to index
        %get3A_386 = tpu.vector_load %arg8[%get3A_385] {strides = array<i32>} : memref<3840xf32, #tpu.memory_space<vmem>>, vector<16xf32>,
        %get3A_387 = vector.shape_cast %get3A_386 : vector<16xf32> to vector<16xf32>
        %sub3A_388 = arith.subf %get3A_382, %get3A_387 : vector<16xf32>
        %mul3A_389 = arith.mulf %sub3A_388, %sub3A_388 : vector<16xf32>
        %add3A_390 = arith.addf %add3A_342, %mul3A_389 : vector<16xf32>
        %get3A_391 = arith.index_cast %scan3A_95 : i32 to index
        %get3A_392 = arith.constant 384 : index
        %get3A_393 = tpu.vector_load %arg6[%get3A_391, %get3A_392] {strides = array<i32>} : memref<48x640xf32, #tpu.memory_space<vmem>>, vector<1x16xf32>,
        %get3A_394 = vector.shape_cast %get3A_393 : vector<1x16xf32> to vector<16xf32>
        %add3A_395 = arith.constant 384 : i32
        %add3A_396 = arith.addi %get3A_103, %add3A_395 : i32
        %get3A_397 = arith.index_cast %add3A_396 : i32 to index
        %get3A_398 = tpu.vector_load %arg8[%get3A_397] {strides = array<i32>} : memref<3840xf32, #tpu.memory_space<vmem>>, vector<16xf32>,
        %get3A_399 = vector.shape_cast %get3A_398 : vector<16xf32> to vector<16xf32>
        %sub3A_400 = arith.subf %get3A_394, %get3A_399 : vector<16xf32>
        %mul3A_401 = arith.mulf %sub3A_400, %sub3A_400 : vector<16xf32>
        %add3A_402 = arith.addf %add3A_354, %mul3A_401 : vector<16xf32>
        %get3A_403 = arith.index_cast %scan3A_95 : i32 to index
        %get3A_404 = arith.constant 400 : index
        %get3A_405 = tpu.vector_load %arg6[%get3A_403, %get3A_404] {strides = array<i32>} : memref<48x640xf32, #tpu.memory_space<vmem>>, vector<1x16xf32>,
        %get3A_406 = vector.shape_cast %get3A_405 : vector<1x16xf32> to vector<16xf32>
        %add3A_407 = arith.constant 400 : i32
        %add3A_408 = arith.addi %get3A_103, %add3A_407 : i32
        %get3A_409 = arith.index_cast %add3A_408 : i32 to index
        %get3A_410 = tpu.vector_load %arg8[%get3A_409] {strides = array<i32>} : memref<3840xf32, #tpu.memory_space<vmem>>, vector<16xf32>,
        %get3A_411 = vector.shape_cast %get3A_410 : vector<16xf32> to vector<16xf32>
        %sub3A_412 = arith.subf %get3A_406, %get3A_411 : vector<16xf32>
        %mul3A_413 = arith.mulf %sub3A_412, %sub3A_412 : vector<16xf32>
        %add3A_414 = arith.addf %add3A_366, %mul3A_413 : vector<16xf32>
        %get3A_415 = arith.index_cast %scan3A_95 : i32 to index
        %get3A_416 = arith.constant 416 : index
        %get3A_417 = tpu.vector_load %arg6[%get3A_415, %get3A_416] {strides = array<i32>} : memref<48x640xf32, #tpu.memory_space<vmem>>, vector<1x16xf32>,
        %get3A_418 = vector.shape_cast %get3A_417 : vector<1x16xf32> to vector<16xf32>
        %add3A_419 = arith.constant 416 : i32
        %add3A_420 = arith.addi %get3A_103, %add3A_419 : i32
        %get3A_421 = arith.index_cast %add3A_420 : i32 to index
        %get3A_422 = tpu.vector_load %arg8[%get3A_421] {strides = array<i32>} : memref<3840xf32, #tpu.memory_space<vmem>>, vector<16xf32>,
        %get3A_423 = vector.shape_cast %get3A_422 : vector<16xf32> to vector<16xf32>
        %sub3A_424 = arith.subf %get3A_418, %get3A_423 : vector<16xf32>
        %mul3A_425 = arith.mulf %sub3A_424, %sub3A_424 : vector<16xf32>
        %add3A_426 = arith.addf %add3A_378, %mul3A_425 : vector<16xf32>
        %get3A_427 = arith.index_cast %scan3A_95 : i32 to index
        %get3A_428 = arith.constant 432 : index
        %get3A_429 = tpu.vector_load %arg6[%get3A_427, %get3A_428] {strides = array<i32>} : memref<48x640xf32, #tpu.memory_space<vmem>>, vector<1x16xf32>,
        %get3A_430 = vector.shape_cast %get3A_429 : vector<1x16xf32> to vector<16xf32>
        %add3A_431 = arith.constant 432 : i32
        %add3A_432 = arith.addi %get3A_103, %add3A_431 : i32
        %get3A_433 = arith.index_cast %add3A_432 : i32 to index
        %get3A_434 = tpu.vector_load %arg8[%get3A_433] {strides = array<i32>} : memref<3840xf32, #tpu.memory_space<vmem>>, vector<16xf32>,
        %get3A_435 = vector.shape_cast %get3A_434 : vector<16xf32> to vector<16xf32>
        %sub3A_436 = arith.subf %get3A_430, %get3A_435 : vector<16xf32>
        %mul3A_437 = arith.mulf %sub3A_436, %sub3A_436 : vector<16xf32>
        %add3A_438 = arith.addf %add3A_390, %mul3A_437 : vector<16xf32>
        %get3A_439 = arith.index_cast %scan3A_95 : i32 to index
        %get3A_440 = arith.constant 448 : index
        %get3A_441 = tpu.vector_load %arg6[%get3A_439, %get3A_440] {strides = array<i32>} : memref<48x640xf32, #tpu.memory_space<vmem>>, vector<1x16xf32>,
        %get3A_442 = vector.shape_cast %get3A_441 : vector<1x16xf32> to vector<16xf32>
        %add3A_443 = arith.constant 448 : i32
        %add3A_444 = arith.addi %get3A_103, %add3A_443 : i32
        %get3A_445 = arith.index_cast %add3A_444 : i32 to index
        %get3A_446 = tpu.vector_load %arg8[%get3A_445] {strides = array<i32>} : memref<3840xf32, #tpu.memory_space<vmem>>, vector<16xf32>,
        %get3A_447 = vector.shape_cast %get3A_446 : vector<16xf32> to vector<16xf32>
        %sub3A_448 = arith.subf %get3A_442, %get3A_447 : vector<16xf32>
        %mul3A_449 = arith.mulf %sub3A_448, %sub3A_448 : vector<16xf32>
        %add3A_450 = arith.addf %add3A_402, %mul3A_449 : vector<16xf32>
        %get3A_451 = arith.index_cast %scan3A_95 : i32 to index
        %get3A_452 = arith.constant 464 : index
        %get3A_453 = tpu.vector_load %arg6[%get3A_451, %get3A_452] {strides = array<i32>} : memref<48x640xf32, #tpu.memory_space<vmem>>, vector<1x16xf32>,
        %get3A_454 = vector.shape_cast %get3A_453 : vector<1x16xf32> to vector<16xf32>
        %add3A_455 = arith.constant 464 : i32
        %add3A_456 = arith.addi %get3A_103, %add3A_455 : i32
        %get3A_457 = arith.index_cast %add3A_456 : i32 to index
        %get3A_458 = tpu.vector_load %arg8[%get3A_457] {strides = array<i32>} : memref<3840xf32, #tpu.memory_space<vmem>>, vector<16xf32>,
        %get3A_459 = vector.shape_cast %get3A_458 : vector<16xf32> to vector<16xf32>
        %sub3A_460 = arith.subf %get3A_454, %get3A_459 : vector<16xf32>
        %mul3A_461 = arith.mulf %sub3A_460, %sub3A_460 : vector<16xf32>
        %add3A_462 = arith.addf %add3A_414, %mul3A_461 : vector<16xf32>
        %get3A_463 = arith.index_cast %scan3A_95 : i32 to index
        %get3A_464 = arith.constant 480 : index
        %get3A_465 = tpu.vector_load %arg6[%get3A_463, %get3A_464] {strides = array<i32>} : memref<48x640xf32, #tpu.memory_space<vmem>>, vector<1x16xf32>,
        %get3A_466 = vector.shape_cast %get3A_465 : vector<1x16xf32> to vector<16xf32>
        %add3A_467 = arith.constant 480 : i32
        %add3A_468 = arith.addi %get3A_103, %add3A_467 : i32
        %get3A_469 = arith.index_cast %add3A_468 : i32 to index
        %get3A_470 = tpu.vector_load %arg8[%get3A_469] {strides = array<i32>} : memref<3840xf32, #tpu.memory_space<vmem>>, vector<16xf32>,
        %get3A_471 = vector.shape_cast %get3A_470 : vector<16xf32> to vector<16xf32>
        %sub3A_472 = arith.subf %get3A_466, %get3A_471 : vector<16xf32>
        %mul3A_473 = arith.mulf %sub3A_472, %sub3A_472 : vector<16xf32>
        %add3A_474 = arith.addf %add3A_426, %mul3A_473 : vector<16xf32>
        %get3A_475 = arith.index_cast %scan3A_95 : i32 to index
        %get3A_476 = arith.constant 496 : index
        %get3A_477 = tpu.vector_load %arg6[%get3A_475, %get3A_476] {strides = array<i32>} : memref<48x640xf32, #tpu.memory_space<vmem>>, vector<1x16xf32>,
        %get3A_478 = vector.shape_cast %get3A_477 : vector<1x16xf32> to vector<16xf32>
        %add3A_479 = arith.constant 496 : i32
        %add3A_480 = arith.addi %get3A_103, %add3A_479 : i32
        %get3A_481 = arith.index_cast %add3A_480 : i32 to index
        %get3A_482 = tpu.vector_load %arg8[%get3A_481] {strides = array<i32>} : memref<3840xf32, #tpu.memory_space<vmem>>, vector<16xf32>,
        %get3A_483 = vector.shape_cast %get3A_482 : vector<16xf32> to vector<16xf32>
        %sub3A_484 = arith.subf %get3A_478, %get3A_483 : vector<16xf32>
        %mul3A_485 = arith.mulf %sub3A_484, %sub3A_484 : vector<16xf32>
        %add3A_486 = arith.addf %add3A_438, %mul3A_485 : vector<16xf32>
        %get3A_487 = arith.index_cast %scan3A_95 : i32 to index
        %get3A_488 = arith.constant 512 : index
        %get3A_489 = tpu.vector_load %arg6[%get3A_487, %get3A_488] {strides = array<i32>} : memref<48x640xf32, #tpu.memory_space<vmem>>, vector<1x16xf32>,
        %get3A_490 = vector.shape_cast %get3A_489 : vector<1x16xf32> to vector<16xf32>
        %add3A_491 = arith.constant 512 : i32
        %add3A_492 = arith.addi %get3A_103, %add3A_491 : i32
        %get3A_493 = arith.index_cast %add3A_492 : i32 to index
        %get3A_494 = tpu.vector_load %arg8[%get3A_493] {strides = array<i32>} : memref<3840xf32, #tpu.memory_space<vmem>>, vector<16xf32>,
        %get3A_495 = vector.shape_cast %get3A_494 : vector<16xf32> to vector<16xf32>
        %sub3A_496 = arith.subf %get3A_490, %get3A_495 : vector<16xf32>
        %mul3A_497 = arith.mulf %sub3A_496, %sub3A_496 : vector<16xf32>
        %add3A_498 = arith.addf %add3A_450, %mul3A_497 : vector<16xf32>
        %get3A_499 = arith.index_cast %scan3A_95 : i32 to index
        %get3A_500 = arith.constant 528 : index
        %get3A_501 = tpu.vector_load %arg6[%get3A_499, %get3A_500] {strides = array<i32>} : memref<48x640xf32, #tpu.memory_space<vmem>>, vector<1x16xf32>,
        %get3A_502 = vector.shape_cast %get3A_501 : vector<1x16xf32> to vector<16xf32>
        %add3A_503 = arith.constant 528 : i32
        %add3A_504 = arith.addi %get3A_103, %add3A_503 : i32
        %get3A_505 = arith.index_cast %add3A_504 : i32 to index
        %get3A_506 = tpu.vector_load %arg8[%get3A_505] {strides = array<i32>} : memref<3840xf32, #tpu.memory_space<vmem>>, vector<16xf32>,
        %get3A_507 = vector.shape_cast %get3A_506 : vector<16xf32> to vector<16xf32>
        %sub3A_508 = arith.subf %get3A_502, %get3A_507 : vector<16xf32>
        %mul3A_509 = arith.mulf %sub3A_508, %sub3A_508 : vector<16xf32>
        %add3A_510 = arith.addf %add3A_462, %mul3A_509 : vector<16xf32>
        %get3A_511 = arith.index_cast %scan3A_95 : i32 to index
        %get3A_512 = arith.constant 544 : index
        %get3A_513 = tpu.vector_load %arg6[%get3A_511, %get3A_512] {strides = array<i32>} : memref<48x640xf32, #tpu.memory_space<vmem>>, vector<1x16xf32>,
        %get3A_514 = vector.shape_cast %get3A_513 : vector<1x16xf32> to vector<16xf32>
        %add3A_515 = arith.constant 544 : i32
        %add3A_516 = arith.addi %get3A_103, %add3A_515 : i32
        %get3A_517 = arith.index_cast %add3A_516 : i32 to index
        %get3A_518 = tpu.vector_load %arg8[%get3A_517] {strides = array<i32>} : memref<3840xf32, #tpu.memory_space<vmem>>, vector<16xf32>,
        %get3A_519 = vector.shape_cast %get3A_518 : vector<16xf32> to vector<16xf32>
        %sub3A_520 = arith.subf %get3A_514, %get3A_519 : vector<16xf32>
        %mul3A_521 = arith.mulf %sub3A_520, %sub3A_520 : vector<16xf32>
        %add3A_522 = arith.addf %add3A_474, %mul3A_521 : vector<16xf32>
        %get3A_523 = arith.index_cast %scan3A_95 : i32 to index
        %get3A_524 = arith.constant 560 : index
        %get3A_525 = tpu.vector_load %arg6[%get3A_523, %get3A_524] {strides = array<i32>} : memref<48x640xf32, #tpu.memory_space<vmem>>, vector<1x16xf32>,
        %get3A_526 = vector.shape_cast %get3A_525 : vector<1x16xf32> to vector<16xf32>
        %add3A_527 = arith.constant 560 : i32
        %add3A_528 = arith.addi %get3A_103, %add3A_527 : i32
        %get3A_529 = arith.index_cast %add3A_528 : i32 to index
        %get3A_530 = tpu.vector_load %arg8[%get3A_529] {strides = array<i32>} : memref<3840xf32, #tpu.memory_space<vmem>>, vector<16xf32>,
        %get3A_531 = vector.shape_cast %get3A_530 : vector<16xf32> to vector<16xf32>
        %sub3A_532 = arith.subf %get3A_526, %get3A_531 : vector<16xf32>
        %mul3A_533 = arith.mulf %sub3A_532, %sub3A_532 : vector<16xf32>
        %add3A_534 = arith.addf %add3A_486, %mul3A_533 : vector<16xf32>
        %get3A_535 = arith.index_cast %scan3A_95 : i32 to index
        %get3A_536 = arith.constant 576 : index
        %get3A_537 = tpu.vector_load %arg6[%get3A_535, %get3A_536] {strides = array<i32>} : memref<48x640xf32, #tpu.memory_space<vmem>>, vector<1x16xf32>,
        %get3A_538 = vector.shape_cast %get3A_537 : vector<1x16xf32> to vector<16xf32>
        %add3A_539 = arith.constant 576 : i32
        %add3A_540 = arith.addi %get3A_103, %add3A_539 : i32
        %get3A_541 = arith.index_cast %add3A_540 : i32 to index
        %get3A_542 = tpu.vector_load %arg8[%get3A_541] {strides = array<i32>} : memref<3840xf32, #tpu.memory_space<vmem>>, vector<16xf32>,
        %get3A_543 = vector.shape_cast %get3A_542 : vector<16xf32> to vector<16xf32>
        %sub3A_544 = arith.subf %get3A_538, %get3A_543 : vector<16xf32>
        %mul3A_545 = arith.mulf %sub3A_544, %sub3A_544 : vector<16xf32>
        %add3A_546 = arith.addf %add3A_498, %mul3A_545 : vector<16xf32>
        %get3A_547 = arith.index_cast %scan3A_95 : i32 to index
        %get3A_548 = arith.constant 592 : index
        %get3A_549 = tpu.vector_load %arg6[%get3A_547, %get3A_548] {strides = array<i32>} : memref<48x640xf32, #tpu.memory_space<vmem>>, vector<1x16xf32>,
        %get3A_550 = vector.shape_cast %get3A_549 : vector<1x16xf32> to vector<16xf32>
        %add3A_551 = arith.constant 592 : i32
        %add3A_552 = arith.addi %get3A_103, %add3A_551 : i32
        %get3A_553 = arith.index_cast %add3A_552 : i32 to index
        %get3A_554 = tpu.vector_load %arg8[%get3A_553] {strides = array<i32>} : memref<3840xf32, #tpu.memory_space<vmem>>, vector<16xf32>,
        %get3A_555 = vector.shape_cast %get3A_554 : vector<16xf32> to vector<16xf32>
        %sub3A_556 = arith.subf %get3A_550, %get3A_555 : vector<16xf32>
        %mul3A_557 = arith.mulf %sub3A_556, %sub3A_556 : vector<16xf32>
        %add3A_558 = arith.addf %add3A_510, %mul3A_557 : vector<16xf32>
        %get3A_559 = arith.index_cast %scan3A_95 : i32 to index
        %get3A_560 = arith.constant 608 : index
        %get3A_561 = tpu.vector_load %arg6[%get3A_559, %get3A_560] {strides = array<i32>} : memref<48x640xf32, #tpu.memory_space<vmem>>, vector<1x16xf32>,
        %get3A_562 = vector.shape_cast %get3A_561 : vector<1x16xf32> to vector<16xf32>
        %add3A_563 = arith.constant 608 : i32
        %add3A_564 = arith.addi %get3A_103, %add3A_563 : i32
        %get3A_565 = arith.index_cast %add3A_564 : i32 to index
        %get3A_566 = tpu.vector_load %arg8[%get3A_565] {strides = array<i32>} : memref<3840xf32, #tpu.memory_space<vmem>>, vector<16xf32>,
        %get3A_567 = vector.shape_cast %get3A_566 : vector<16xf32> to vector<16xf32>
        %sub3A_568 = arith.subf %get3A_562, %get3A_567 : vector<16xf32>
        %mul3A_569 = arith.mulf %sub3A_568, %sub3A_568 : vector<16xf32>
        %add3A_570 = arith.addf %add3A_522, %mul3A_569 : vector<16xf32>
        %get3A_571 = arith.index_cast %scan3A_95 : i32 to index
        %get3A_572 = arith.constant 624 : index
        %get3A_573 = tpu.vector_load %arg6[%get3A_571, %get3A_572] {strides = array<i32>} : memref<48x640xf32, #tpu.memory_space<vmem>>, vector<1x16xf32>,
        %get3A_574 = vector.shape_cast %get3A_573 : vector<1x16xf32> to vector<16xf32>
        %add3A_575 = arith.constant 624 : i32
        %add3A_576 = arith.addi %get3A_103, %add3A_575 : i32
        %get3A_577 = arith.index_cast %add3A_576 : i32 to index
        %get3A_578 = tpu.vector_load %arg8[%get3A_577] {strides = array<i32>} : memref<3840xf32, #tpu.memory_space<vmem>>, vector<16xf32>,
        %get3A_579 = vector.shape_cast %get3A_578 : vector<16xf32> to vector<16xf32>
        %sub3A_580 = arith.subf %get3A_574, %get3A_579 : vector<16xf32>
        %mul3A_581 = arith.mulf %sub3A_580, %sub3A_580 : vector<16xf32>
        %add3A_582 = arith.addf %add3A_534, %mul3A_581 : vector<16xf32>
        scf.yield %add3A_546, %add3A_558, %add3A_570, %add3A_582 : vector<16xf32>, vector<16xf32>, vector<16xf32>, vector<16xf32>
      }
      %scan3A_66 = arith.constant 48 : i32
      %add3A_67 = arith.constant 2 : i32
      %add3A_68 = arith.addi %add3A_55, %add3A_67 : i32
      %lt3A_69 = arith.constant 4 : i32
      %lt3A_70 = arith.cmpi slt, %add3A_68, %lt3A_69 : i32
      %convert_element_type3A = arith.extui %lt3A_70 : i1 to i32
      %cond3A = arith.constant 0 : i32
      %cond3A_71 = arith.cmpi ne, %convert_element_type3A, %cond3A : i32
      scf.if %cond3A_71 {
        %add3A_95 = arith.constant 2 : i32
        %add3A_96 = arith.addi %add3A_55, %add3A_95 : i32
        %mul3A_97 = arith.constant 48 : i32
        %mul3A_98 = arith.muli %add3A_96, %mul3A_97 : i32
        %add3A_99 = arith.addi %mul3A_2, %mul3A_98 : i32
        %dma_start3A_100 = arith.constant 0 : i32
        %dma_start3A_101 = tpu.memref_slice %arg2[%add3A_99, %dma_start3A_100] : memref<16384x640xf32, #tpu.memory_space<hbm>> -> memref<48x640xf32, #tpu.memory_space<hbm>>
        %dma_start3A_102 = arith.constant 0 : i32
        %dma_start3A_103 = tpu.memref_slice %arg2[%add3A_99, %dma_start3A_102] : memref<16384x640xf32, #tpu.memory_space<hbm>> -> memref<48x640xf32, #tpu.memory_space<hbm>>
        tpu.enqueue_dma source(%dma_start3A_103 : memref<48x640xf32, #tpu.memory_space<hbm>>) target(%arg6 : memref<48x640xf32, #tpu.memory_space<vmem>>) target_semaphore(%arg12 : memref<!tpu.dma_semaphore, #tpu.memory_space<semaphore_mem>>)
      } else {
      }
      %mul3A_72 = arith.constant 2 : i32
      %mul3A_73 = arith.muli %mul3A_72, %scan3A_47 : i32
      %add3A_74 = arith.constant 1 : i32
      %add3A_75 = arith.addi %mul3A_73, %add3A_74 : i32
      %dma_wait3A_76 = arith.constant 0 : i32
      %dma_wait3A_77 = arith.constant 0 : i32
      %dma_wait3A_78 = tpu.memref_slice %arg2[%dma_wait3A_76, %dma_wait3A_77] : memref<16384x640xf32, #tpu.memory_space<hbm>> -> memref<48x640xf32, #tpu.memory_space<hbm>>
      %dma_wait3A_79 = arith.constant 0 : i32
      %dma_wait3A_80 = arith.constant 0 : i32
      %dma_wait3A_81 = tpu.memref_slice %arg2[%dma_wait3A_79, %dma_wait3A_80] : memref<16384x640xf32, #tpu.memory_space<hbm>> -> memref<48x640xf32, #tpu.memory_space<hbm>>
      tpu.wait_dma2 semaphore(%arg13 : memref<!tpu.dma_semaphore, #tpu.memory_space<semaphore_mem>>) src(%dma_wait3A_81 : memref<48x640xf32, #tpu.memory_space<hbm>>) dst(%arg7 : memref<48x640xf32, #tpu.memory_space<vmem>>)
      %scan3A_82 = arith.constant 0 : i32
      %scan3A_83 = arith.constant 48 : i32
      %scan3A_84 = arith.addi %scan3A_82, %scan3A_83 : i32
      %scan3A_85 = arith.constant 1 : i32
      %scan3A_86:4 = scf.for %scan3A_95 = %scan3A_82 to %scan3A_84 step %scan3A_85 iter_args(%scan3A_96 = %scan3A_65#0, %scan3A_97 = %scan3A_65#1, %scan3A_98 = %scan3A_65#2, %scan3A_99 = %scan3A_65#3) -> (vector<16xf32>, vector<16xf32>, vector<16xf32>, vector<16xf32>)  : i32 {
        %mul3A_100 = arith.constant 48 : i32
        %mul3A_101 = arith.muli %add3A_75, %mul3A_100 : i32
        %add3A_102 = arith.addi %mul3A_101, %scan3A_95 : i32
        %get3A = arith.index_cast %add3A_102 : i32 to index
        %get3A_103 = memref.load %arg11[%get3A] : memref<192xi32, #tpu.memory_space<smem>>
        %get3A_104 = arith.index_cast %scan3A_95 : i32 to index
        %get3A_105 = arith.constant 0 : index
        %get3A_106 = tpu.vector_load %arg7[%get3A_104, %get3A_105] {strides = array<i32>} : memref<48x640xf32, #tpu.memory_space<vmem>>, vector<1x16xf32>,
        %get3A_107 = vector.shape_cast %get3A_106 : vector<1x16xf32> to vector<16xf32>
        %add3A_108 = arith.constant 0 : i32
        %add3A_109 = arith.addi %get3A_103, %add3A_108 : i32
        %get3A_110 = arith.index_cast %add3A_109 : i32 to index
        %get3A_111 = tpu.vector_load %arg8[%get3A_110] {strides = array<i32>} : memref<3840xf32, #tpu.memory_space<vmem>>, vector<16xf32>,
        %get3A_112 = vector.shape_cast %get3A_111 : vector<16xf32> to vector<16xf32>
        %sub3A = arith.subf %get3A_107, %get3A_112 : vector<16xf32>
        %mul3A_113 = arith.mulf %sub3A, %sub3A : vector<16xf32>
        %add3A_114 = arith.addf %scan3A_96, %mul3A_113 : vector<16xf32>
        %get3A_115 = arith.index_cast %scan3A_95 : i32 to index
        %get3A_116 = arith.constant 16 : index
        %get3A_117 = tpu.vector_load %arg7[%get3A_115, %get3A_116] {strides = array<i32>} : memref<48x640xf32, #tpu.memory_space<vmem>>, vector<1x16xf32>,
        %get3A_118 = vector.shape_cast %get3A_117 : vector<1x16xf32> to vector<16xf32>
        %add3A_119 = arith.constant 16 : i32
        %add3A_120 = arith.addi %get3A_103, %add3A_119 : i32
        %get3A_121 = arith.index_cast %add3A_120 : i32 to index
        %get3A_122 = tpu.vector_load %arg8[%get3A_121] {strides = array<i32>} : memref<3840xf32, #tpu.memory_space<vmem>>, vector<16xf32>,
        %get3A_123 = vector.shape_cast %get3A_122 : vector<16xf32> to vector<16xf32>
        %sub3A_124 = arith.subf %get3A_118, %get3A_123 : vector<16xf32>
        %mul3A_125 = arith.mulf %sub3A_124, %sub3A_124 : vector<16xf32>
        %add3A_126 = arith.addf %scan3A_97, %mul3A_125 : vector<16xf32>
        %get3A_127 = arith.index_cast %scan3A_95 : i32 to index
        %get3A_128 = arith.constant 32 : index
        %get3A_129 = tpu.vector_load %arg7[%get3A_127, %get3A_128] {strides = array<i32>} : memref<48x640xf32, #tpu.memory_space<vmem>>, vector<1x16xf32>,
        %get3A_130 = vector.shape_cast %get3A_129 : vector<1x16xf32> to vector<16xf32>
        %add3A_131 = arith.constant 32 : i32
        %add3A_132 = arith.addi %get3A_103, %add3A_131 : i32
        %get3A_133 = arith.index_cast %add3A_132 : i32 to index
        %get3A_134 = tpu.vector_load %arg8[%get3A_133] {strides = array<i32>} : memref<3840xf32, #tpu.memory_space<vmem>>, vector<16xf32>,
        %get3A_135 = vector.shape_cast %get3A_134 : vector<16xf32> to vector<16xf32>
        %sub3A_136 = arith.subf %get3A_130, %get3A_135 : vector<16xf32>
        %mul3A_137 = arith.mulf %sub3A_136, %sub3A_136 : vector<16xf32>
        %add3A_138 = arith.addf %scan3A_98, %mul3A_137 : vector<16xf32>
        %get3A_139 = arith.index_cast %scan3A_95 : i32 to index
        %get3A_140 = arith.constant 48 : index
        %get3A_141 = tpu.vector_load %arg7[%get3A_139, %get3A_140] {strides = array<i32>} : memref<48x640xf32, #tpu.memory_space<vmem>>, vector<1x16xf32>,
        %get3A_142 = vector.shape_cast %get3A_141 : vector<1x16xf32> to vector<16xf32>
        %add3A_143 = arith.constant 48 : i32
        %add3A_144 = arith.addi %get3A_103, %add3A_143 : i32
        %get3A_145 = arith.index_cast %add3A_144 : i32 to index
        %get3A_146 = tpu.vector_load %arg8[%get3A_145] {strides = array<i32>} : memref<3840xf32, #tpu.memory_space<vmem>>, vector<16xf32>,
        %get3A_147 = vector.shape_cast %get3A_146 : vector<16xf32> to vector<16xf32>
        %sub3A_148 = arith.subf %get3A_142, %get3A_147 : vector<16xf32>
        %mul3A_149 = arith.mulf %sub3A_148, %sub3A_148 : vector<16xf32>
        %add3A_150 = arith.addf %scan3A_99, %mul3A_149 : vector<16xf32>
        %get3A_151 = arith.index_cast %scan3A_95 : i32 to index
        %get3A_152 = arith.constant 64 : index
        %get3A_153 = tpu.vector_load %arg7[%get3A_151, %get3A_152] {strides = array<i32>} : memref<48x640xf32, #tpu.memory_space<vmem>>, vector<1x16xf32>,
        %get3A_154 = vector.shape_cast %get3A_153 : vector<1x16xf32> to vector<16xf32>
        %add3A_155 = arith.constant 64 : i32
        %add3A_156 = arith.addi %get3A_103, %add3A_155 : i32
        %get3A_157 = arith.index_cast %add3A_156 : i32 to index
        %get3A_158 = tpu.vector_load %arg8[%get3A_157] {strides = array<i32>} : memref<3840xf32, #tpu.memory_space<vmem>>, vector<16xf32>,
        %get3A_159 = vector.shape_cast %get3A_158 : vector<16xf32> to vector<16xf32>
        %sub3A_160 = arith.subf %get3A_154, %get3A_159 : vector<16xf32>
        %mul3A_161 = arith.mulf %sub3A_160, %sub3A_160 : vector<16xf32>
        %add3A_162 = arith.addf %add3A_114, %mul3A_161 : vector<16xf32>
        %get3A_163 = arith.index_cast %scan3A_95 : i32 to index
        %get3A_164 = arith.constant 80 : index
        %get3A_165 = tpu.vector_load %arg7[%get3A_163, %get3A_164] {strides = array<i32>} : memref<48x640xf32, #tpu.memory_space<vmem>>, vector<1x16xf32>,
        %get3A_166 = vector.shape_cast %get3A_165 : vector<1x16xf32> to vector<16xf32>
        %add3A_167 = arith.constant 80 : i32
        %add3A_168 = arith.addi %get3A_103, %add3A_167 : i32
        %get3A_169 = arith.index_cast %add3A_168 : i32 to index
        %get3A_170 = tpu.vector_load %arg8[%get3A_169] {strides = array<i32>} : memref<3840xf32, #tpu.memory_space<vmem>>, vector<16xf32>,
        %get3A_171 = vector.shape_cast %get3A_170 : vector<16xf32> to vector<16xf32>
        %sub3A_172 = arith.subf %get3A_166, %get3A_171 : vector<16xf32>
        %mul3A_173 = arith.mulf %sub3A_172, %sub3A_172 : vector<16xf32>
        %add3A_174 = arith.addf %add3A_126, %mul3A_173 : vector<16xf32>
        %get3A_175 = arith.index_cast %scan3A_95 : i32 to index
        %get3A_176 = arith.constant 96 : index
        %get3A_177 = tpu.vector_load %arg7[%get3A_175, %get3A_176] {strides = array<i32>} : memref<48x640xf32, #tpu.memory_space<vmem>>, vector<1x16xf32>,
        %get3A_178 = vector.shape_cast %get3A_177 : vector<1x16xf32> to vector<16xf32>
        %add3A_179 = arith.constant 96 : i32
        %add3A_180 = arith.addi %get3A_103, %add3A_179 : i32
        %get3A_181 = arith.index_cast %add3A_180 : i32 to index
        %get3A_182 = tpu.vector_load %arg8[%get3A_181] {strides = array<i32>} : memref<3840xf32, #tpu.memory_space<vmem>>, vector<16xf32>,
        %get3A_183 = vector.shape_cast %get3A_182 : vector<16xf32> to vector<16xf32>
        %sub3A_184 = arith.subf %get3A_178, %get3A_183 : vector<16xf32>
        %mul3A_185 = arith.mulf %sub3A_184, %sub3A_184 : vector<16xf32>
        %add3A_186 = arith.addf %add3A_138, %mul3A_185 : vector<16xf32>
        %get3A_187 = arith.index_cast %scan3A_95 : i32 to index
        %get3A_188 = arith.constant 112 : index
        %get3A_189 = tpu.vector_load %arg7[%get3A_187, %get3A_188] {strides = array<i32>} : memref<48x640xf32, #tpu.memory_space<vmem>>, vector<1x16xf32>,
        %get3A_190 = vector.shape_cast %get3A_189 : vector<1x16xf32> to vector<16xf32>
        %add3A_191 = arith.constant 112 : i32
        %add3A_192 = arith.addi %get3A_103, %add3A_191 : i32
        %get3A_193 = arith.index_cast %add3A_192 : i32 to index
        %get3A_194 = tpu.vector_load %arg8[%get3A_193] {strides = array<i32>} : memref<3840xf32, #tpu.memory_space<vmem>>, vector<16xf32>,
        %get3A_195 = vector.shape_cast %get3A_194 : vector<16xf32> to vector<16xf32>
        %sub3A_196 = arith.subf %get3A_190, %get3A_195 : vector<16xf32>
        %mul3A_197 = arith.mulf %sub3A_196, %sub3A_196 : vector<16xf32>
        %add3A_198 = arith.addf %add3A_150, %mul3A_197 : vector<16xf32>
        %get3A_199 = arith.index_cast %scan3A_95 : i32 to index
        %get3A_200 = arith.constant 128 : index
        %get3A_201 = tpu.vector_load %arg7[%get3A_199, %get3A_200] {strides = array<i32>} : memref<48x640xf32, #tpu.memory_space<vmem>>, vector<1x16xf32>,
        %get3A_202 = vector.shape_cast %get3A_201 : vector<1x16xf32> to vector<16xf32>
        %add3A_203 = arith.constant 128 : i32
        %add3A_204 = arith.addi %get3A_103, %add3A_203 : i32
        %get3A_205 = arith.index_cast %add3A_204 : i32 to index
        %get3A_206 = tpu.vector_load %arg8[%get3A_205] {strides = array<i32>} : memref<3840xf32, #tpu.memory_space<vmem>>, vector<16xf32>,
        %get3A_207 = vector.shape_cast %get3A_206 : vector<16xf32> to vector<16xf32>
        %sub3A_208 = arith.subf %get3A_202, %get3A_207 : vector<16xf32>
        %mul3A_209 = arith.mulf %sub3A_208, %sub3A_208 : vector<16xf32>
        %add3A_210 = arith.addf %add3A_162, %mul3A_209 : vector<16xf32>
        %get3A_211 = arith.index_cast %scan3A_95 : i32 to index
        %get3A_212 = arith.constant 144 : index
        %get3A_213 = tpu.vector_load %arg7[%get3A_211, %get3A_212] {strides = array<i32>} : memref<48x640xf32, #tpu.memory_space<vmem>>, vector<1x16xf32>,
        %get3A_214 = vector.shape_cast %get3A_213 : vector<1x16xf32> to vector<16xf32>
        %add3A_215 = arith.constant 144 : i32
        %add3A_216 = arith.addi %get3A_103, %add3A_215 : i32
        %get3A_217 = arith.index_cast %add3A_216 : i32 to index
        %get3A_218 = tpu.vector_load %arg8[%get3A_217] {strides = array<i32>} : memref<3840xf32, #tpu.memory_space<vmem>>, vector<16xf32>,
        %get3A_219 = vector.shape_cast %get3A_218 : vector<16xf32> to vector<16xf32>
        %sub3A_220 = arith.subf %get3A_214, %get3A_219 : vector<16xf32>
        %mul3A_221 = arith.mulf %sub3A_220, %sub3A_220 : vector<16xf32>
        %add3A_222 = arith.addf %add3A_174, %mul3A_221 : vector<16xf32>
        %get3A_223 = arith.index_cast %scan3A_95 : i32 to index
        %get3A_224 = arith.constant 160 : index
        %get3A_225 = tpu.vector_load %arg7[%get3A_223, %get3A_224] {strides = array<i32>} : memref<48x640xf32, #tpu.memory_space<vmem>>, vector<1x16xf32>,
        %get3A_226 = vector.shape_cast %get3A_225 : vector<1x16xf32> to vector<16xf32>
        %add3A_227 = arith.constant 160 : i32
        %add3A_228 = arith.addi %get3A_103, %add3A_227 : i32
        %get3A_229 = arith.index_cast %add3A_228 : i32 to index
        %get3A_230 = tpu.vector_load %arg8[%get3A_229] {strides = array<i32>} : memref<3840xf32, #tpu.memory_space<vmem>>, vector<16xf32>,
        %get3A_231 = vector.shape_cast %get3A_230 : vector<16xf32> to vector<16xf32>
        %sub3A_232 = arith.subf %get3A_226, %get3A_231 : vector<16xf32>
        %mul3A_233 = arith.mulf %sub3A_232, %sub3A_232 : vector<16xf32>
        %add3A_234 = arith.addf %add3A_186, %mul3A_233 : vector<16xf32>
        %get3A_235 = arith.index_cast %scan3A_95 : i32 to index
        %get3A_236 = arith.constant 176 : index
        %get3A_237 = tpu.vector_load %arg7[%get3A_235, %get3A_236] {strides = array<i32>} : memref<48x640xf32, #tpu.memory_space<vmem>>, vector<1x16xf32>,
        %get3A_238 = vector.shape_cast %get3A_237 : vector<1x16xf32> to vector<16xf32>
        %add3A_239 = arith.constant 176 : i32
        %add3A_240 = arith.addi %get3A_103, %add3A_239 : i32
        %get3A_241 = arith.index_cast %add3A_240 : i32 to index
        %get3A_242 = tpu.vector_load %arg8[%get3A_241] {strides = array<i32>} : memref<3840xf32, #tpu.memory_space<vmem>>, vector<16xf32>,
        %get3A_243 = vector.shape_cast %get3A_242 : vector<16xf32> to vector<16xf32>
        %sub3A_244 = arith.subf %get3A_238, %get3A_243 : vector<16xf32>
        %mul3A_245 = arith.mulf %sub3A_244, %sub3A_244 : vector<16xf32>
        %add3A_246 = arith.addf %add3A_198, %mul3A_245 : vector<16xf32>
        %get3A_247 = arith.index_cast %scan3A_95 : i32 to index
        %get3A_248 = arith.constant 192 : index
        %get3A_249 = tpu.vector_load %arg7[%get3A_247, %get3A_248] {strides = array<i32>} : memref<48x640xf32, #tpu.memory_space<vmem>>, vector<1x16xf32>,
        %get3A_250 = vector.shape_cast %get3A_249 : vector<1x16xf32> to vector<16xf32>
        %add3A_251 = arith.constant 192 : i32
        %add3A_252 = arith.addi %get3A_103, %add3A_251 : i32
        %get3A_253 = arith.index_cast %add3A_252 : i32 to index
        %get3A_254 = tpu.vector_load %arg8[%get3A_253] {strides = array<i32>} : memref<3840xf32, #tpu.memory_space<vmem>>, vector<16xf32>,
        %get3A_255 = vector.shape_cast %get3A_254 : vector<16xf32> to vector<16xf32>
        %sub3A_256 = arith.subf %get3A_250, %get3A_255 : vector<16xf32>
        %mul3A_257 = arith.mulf %sub3A_256, %sub3A_256 : vector<16xf32>
        %add3A_258 = arith.addf %add3A_210, %mul3A_257 : vector<16xf32>
        %get3A_259 = arith.index_cast %scan3A_95 : i32 to index
        %get3A_260 = arith.constant 208 : index
        %get3A_261 = tpu.vector_load %arg7[%get3A_259, %get3A_260] {strides = array<i32>} : memref<48x640xf32, #tpu.memory_space<vmem>>, vector<1x16xf32>,
        %get3A_262 = vector.shape_cast %get3A_261 : vector<1x16xf32> to vector<16xf32>
        %add3A_263 = arith.constant 208 : i32
        %add3A_264 = arith.addi %get3A_103, %add3A_263 : i32
        %get3A_265 = arith.index_cast %add3A_264 : i32 to index
        %get3A_266 = tpu.vector_load %arg8[%get3A_265] {strides = array<i32>} : memref<3840xf32, #tpu.memory_space<vmem>>, vector<16xf32>,
        %get3A_267 = vector.shape_cast %get3A_266 : vector<16xf32> to vector<16xf32>
        %sub3A_268 = arith.subf %get3A_262, %get3A_267 : vector<16xf32>
        %mul3A_269 = arith.mulf %sub3A_268, %sub3A_268 : vector<16xf32>
        %add3A_270 = arith.addf %add3A_222, %mul3A_269 : vector<16xf32>
        %get3A_271 = arith.index_cast %scan3A_95 : i32 to index
        %get3A_272 = arith.constant 224 : index
        %get3A_273 = tpu.vector_load %arg7[%get3A_271, %get3A_272] {strides = array<i32>} : memref<48x640xf32, #tpu.memory_space<vmem>>, vector<1x16xf32>,
        %get3A_274 = vector.shape_cast %get3A_273 : vector<1x16xf32> to vector<16xf32>
        %add3A_275 = arith.constant 224 : i32
        %add3A_276 = arith.addi %get3A_103, %add3A_275 : i32
        %get3A_277 = arith.index_cast %add3A_276 : i32 to index
        %get3A_278 = tpu.vector_load %arg8[%get3A_277] {strides = array<i32>} : memref<3840xf32, #tpu.memory_space<vmem>>, vector<16xf32>,
        %get3A_279 = vector.shape_cast %get3A_278 : vector<16xf32> to vector<16xf32>
        %sub3A_280 = arith.subf %get3A_274, %get3A_279 : vector<16xf32>
        %mul3A_281 = arith.mulf %sub3A_280, %sub3A_280 : vector<16xf32>
        %add3A_282 = arith.addf %add3A_234, %mul3A_281 : vector<16xf32>
        %get3A_283 = arith.index_cast %scan3A_95 : i32 to index
        %get3A_284 = arith.constant 240 : index
        %get3A_285 = tpu.vector_load %arg7[%get3A_283, %get3A_284] {strides = array<i32>} : memref<48x640xf32, #tpu.memory_space<vmem>>, vector<1x16xf32>,
        %get3A_286 = vector.shape_cast %get3A_285 : vector<1x16xf32> to vector<16xf32>
        %add3A_287 = arith.constant 240 : i32
        %add3A_288 = arith.addi %get3A_103, %add3A_287 : i32
        %get3A_289 = arith.index_cast %add3A_288 : i32 to index
        %get3A_290 = tpu.vector_load %arg8[%get3A_289] {strides = array<i32>} : memref<3840xf32, #tpu.memory_space<vmem>>, vector<16xf32>,
        %get3A_291 = vector.shape_cast %get3A_290 : vector<16xf32> to vector<16xf32>
        %sub3A_292 = arith.subf %get3A_286, %get3A_291 : vector<16xf32>
        %mul3A_293 = arith.mulf %sub3A_292, %sub3A_292 : vector<16xf32>
        %add3A_294 = arith.addf %add3A_246, %mul3A_293 : vector<16xf32>
        %get3A_295 = arith.index_cast %scan3A_95 : i32 to index
        %get3A_296 = arith.constant 256 : index
        %get3A_297 = tpu.vector_load %arg7[%get3A_295, %get3A_296] {strides = array<i32>} : memref<48x640xf32, #tpu.memory_space<vmem>>, vector<1x16xf32>,
        %get3A_298 = vector.shape_cast %get3A_297 : vector<1x16xf32> to vector<16xf32>
        %add3A_299 = arith.constant 256 : i32
        %add3A_300 = arith.addi %get3A_103, %add3A_299 : i32
        %get3A_301 = arith.index_cast %add3A_300 : i32 to index
        %get3A_302 = tpu.vector_load %arg8[%get3A_301] {strides = array<i32>} : memref<3840xf32, #tpu.memory_space<vmem>>, vector<16xf32>,
        %get3A_303 = vector.shape_cast %get3A_302 : vector<16xf32> to vector<16xf32>
        %sub3A_304 = arith.subf %get3A_298, %get3A_303 : vector<16xf32>
        %mul3A_305 = arith.mulf %sub3A_304, %sub3A_304 : vector<16xf32>
        %add3A_306 = arith.addf %add3A_258, %mul3A_305 : vector<16xf32>
        %get3A_307 = arith.index_cast %scan3A_95 : i32 to index
        %get3A_308 = arith.constant 272 : index
        %get3A_309 = tpu.vector_load %arg7[%get3A_307, %get3A_308] {strides = array<i32>} : memref<48x640xf32, #tpu.memory_space<vmem>>, vector<1x16xf32>,
        %get3A_310 = vector.shape_cast %get3A_309 : vector<1x16xf32> to vector<16xf32>
        %add3A_311 = arith.constant 272 : i32
        %add3A_312 = arith.addi %get3A_103, %add3A_311 : i32
        %get3A_313 = arith.index_cast %add3A_312 : i32 to index
        %get3A_314 = tpu.vector_load %arg8[%get3A_313] {strides = array<i32>} : memref<3840xf32, #tpu.memory_space<vmem>>, vector<16xf32>,
        %get3A_315 = vector.shape_cast %get3A_314 : vector<16xf32> to vector<16xf32>
        %sub3A_316 = arith.subf %get3A_310, %get3A_315 : vector<16xf32>
        %mul3A_317 = arith.mulf %sub3A_316, %sub3A_316 : vector<16xf32>
        %add3A_318 = arith.addf %add3A_270, %mul3A_317 : vector<16xf32>
        %get3A_319 = arith.index_cast %scan3A_95 : i32 to index
        %get3A_320 = arith.constant 288 : index
        %get3A_321 = tpu.vector_load %arg7[%get3A_319, %get3A_320] {strides = array<i32>} : memref<48x640xf32, #tpu.memory_space<vmem>>, vector<1x16xf32>,
        %get3A_322 = vector.shape_cast %get3A_321 : vector<1x16xf32> to vector<16xf32>
        %add3A_323 = arith.constant 288 : i32
        %add3A_324 = arith.addi %get3A_103, %add3A_323 : i32
        %get3A_325 = arith.index_cast %add3A_324 : i32 to index
        %get3A_326 = tpu.vector_load %arg8[%get3A_325] {strides = array<i32>} : memref<3840xf32, #tpu.memory_space<vmem>>, vector<16xf32>,
        %get3A_327 = vector.shape_cast %get3A_326 : vector<16xf32> to vector<16xf32>
        %sub3A_328 = arith.subf %get3A_322, %get3A_327 : vector<16xf32>
        %mul3A_329 = arith.mulf %sub3A_328, %sub3A_328 : vector<16xf32>
        %add3A_330 = arith.addf %add3A_282, %mul3A_329 : vector<16xf32>
        %get3A_331 = arith.index_cast %scan3A_95 : i32 to index
        %get3A_332 = arith.constant 304 : index
        %get3A_333 = tpu.vector_load %arg7[%get3A_331, %get3A_332] {strides = array<i32>} : memref<48x640xf32, #tpu.memory_space<vmem>>, vector<1x16xf32>,
        %get3A_334 = vector.shape_cast %get3A_333 : vector<1x16xf32> to vector<16xf32>
        %add3A_335 = arith.constant 304 : i32
        %add3A_336 = arith.addi %get3A_103, %add3A_335 : i32
        %get3A_337 = arith.index_cast %add3A_336 : i32 to index
        %get3A_338 = tpu.vector_load %arg8[%get3A_337] {strides = array<i32>} : memref<3840xf32, #tpu.memory_space<vmem>>, vector<16xf32>,
        %get3A_339 = vector.shape_cast %get3A_338 : vector<16xf32> to vector<16xf32>
        %sub3A_340 = arith.subf %get3A_334, %get3A_339 : vector<16xf32>
        %mul3A_341 = arith.mulf %sub3A_340, %sub3A_340 : vector<16xf32>
        %add3A_342 = arith.addf %add3A_294, %mul3A_341 : vector<16xf32>
        %get3A_343 = arith.index_cast %scan3A_95 : i32 to index
        %get3A_344 = arith.constant 320 : index
        %get3A_345 = tpu.vector_load %arg7[%get3A_343, %get3A_344] {strides = array<i32>} : memref<48x640xf32, #tpu.memory_space<vmem>>, vector<1x16xf32>,
        %get3A_346 = vector.shape_cast %get3A_345 : vector<1x16xf32> to vector<16xf32>
        %add3A_347 = arith.constant 320 : i32
        %add3A_348 = arith.addi %get3A_103, %add3A_347 : i32
        %get3A_349 = arith.index_cast %add3A_348 : i32 to index
        %get3A_350 = tpu.vector_load %arg8[%get3A_349] {strides = array<i32>} : memref<3840xf32, #tpu.memory_space<vmem>>, vector<16xf32>,
        %get3A_351 = vector.shape_cast %get3A_350 : vector<16xf32> to vector<16xf32>
        %sub3A_352 = arith.subf %get3A_346, %get3A_351 : vector<16xf32>
        %mul3A_353 = arith.mulf %sub3A_352, %sub3A_352 : vector<16xf32>
        %add3A_354 = arith.addf %add3A_306, %mul3A_353 : vector<16xf32>
        %get3A_355 = arith.index_cast %scan3A_95 : i32 to index
        %get3A_356 = arith.constant 336 : index
        %get3A_357 = tpu.vector_load %arg7[%get3A_355, %get3A_356] {strides = array<i32>} : memref<48x640xf32, #tpu.memory_space<vmem>>, vector<1x16xf32>,
        %get3A_358 = vector.shape_cast %get3A_357 : vector<1x16xf32> to vector<16xf32>
        %add3A_359 = arith.constant 336 : i32
        %add3A_360 = arith.addi %get3A_103, %add3A_359 : i32
        %get3A_361 = arith.index_cast %add3A_360 : i32 to index
        %get3A_362 = tpu.vector_load %arg8[%get3A_361] {strides = array<i32>} : memref<3840xf32, #tpu.memory_space<vmem>>, vector<16xf32>,
        %get3A_363 = vector.shape_cast %get3A_362 : vector<16xf32> to vector<16xf32>
        %sub3A_364 = arith.subf %get3A_358, %get3A_363 : vector<16xf32>
        %mul3A_365 = arith.mulf %sub3A_364, %sub3A_364 : vector<16xf32>
        %add3A_366 = arith.addf %add3A_318, %mul3A_365 : vector<16xf32>
        %get3A_367 = arith.index_cast %scan3A_95 : i32 to index
        %get3A_368 = arith.constant 352 : index
        %get3A_369 = tpu.vector_load %arg7[%get3A_367, %get3A_368] {strides = array<i32>} : memref<48x640xf32, #tpu.memory_space<vmem>>, vector<1x16xf32>,
        %get3A_370 = vector.shape_cast %get3A_369 : vector<1x16xf32> to vector<16xf32>
        %add3A_371 = arith.constant 352 : i32
        %add3A_372 = arith.addi %get3A_103, %add3A_371 : i32
        %get3A_373 = arith.index_cast %add3A_372 : i32 to index
        %get3A_374 = tpu.vector_load %arg8[%get3A_373] {strides = array<i32>} : memref<3840xf32, #tpu.memory_space<vmem>>, vector<16xf32>,
        %get3A_375 = vector.shape_cast %get3A_374 : vector<16xf32> to vector<16xf32>
        %sub3A_376 = arith.subf %get3A_370, %get3A_375 : vector<16xf32>
        %mul3A_377 = arith.mulf %sub3A_376, %sub3A_376 : vector<16xf32>
        %add3A_378 = arith.addf %add3A_330, %mul3A_377 : vector<16xf32>
        %get3A_379 = arith.index_cast %scan3A_95 : i32 to index
        %get3A_380 = arith.constant 368 : index
        %get3A_381 = tpu.vector_load %arg7[%get3A_379, %get3A_380] {strides = array<i32>} : memref<48x640xf32, #tpu.memory_space<vmem>>, vector<1x16xf32>,
        %get3A_382 = vector.shape_cast %get3A_381 : vector<1x16xf32> to vector<16xf32>
        %add3A_383 = arith.constant 368 : i32
        %add3A_384 = arith.addi %get3A_103, %add3A_383 : i32
        %get3A_385 = arith.index_cast %add3A_384 : i32 to index
        %get3A_386 = tpu.vector_load %arg8[%get3A_385] {strides = array<i32>} : memref<3840xf32, #tpu.memory_space<vmem>>, vector<16xf32>,
        %get3A_387 = vector.shape_cast %get3A_386 : vector<16xf32> to vector<16xf32>
        %sub3A_388 = arith.subf %get3A_382, %get3A_387 : vector<16xf32>
        %mul3A_389 = arith.mulf %sub3A_388, %sub3A_388 : vector<16xf32>
        %add3A_390 = arith.addf %add3A_342, %mul3A_389 : vector<16xf32>
        %get3A_391 = arith.index_cast %scan3A_95 : i32 to index
        %get3A_392 = arith.constant 384 : index
        %get3A_393 = tpu.vector_load %arg7[%get3A_391, %get3A_392] {strides = array<i32>} : memref<48x640xf32, #tpu.memory_space<vmem>>, vector<1x16xf32>,
        %get3A_394 = vector.shape_cast %get3A_393 : vector<1x16xf32> to vector<16xf32>
        %add3A_395 = arith.constant 384 : i32
        %add3A_396 = arith.addi %get3A_103, %add3A_395 : i32
        %get3A_397 = arith.index_cast %add3A_396 : i32 to index
        %get3A_398 = tpu.vector_load %arg8[%get3A_397] {strides = array<i32>} : memref<3840xf32, #tpu.memory_space<vmem>>, vector<16xf32>,
        %get3A_399 = vector.shape_cast %get3A_398 : vector<16xf32> to vector<16xf32>
        %sub3A_400 = arith.subf %get3A_394, %get3A_399 : vector<16xf32>
        %mul3A_401 = arith.mulf %sub3A_400, %sub3A_400 : vector<16xf32>
        %add3A_402 = arith.addf %add3A_354, %mul3A_401 : vector<16xf32>
        %get3A_403 = arith.index_cast %scan3A_95 : i32 to index
        %get3A_404 = arith.constant 400 : index
        %get3A_405 = tpu.vector_load %arg7[%get3A_403, %get3A_404] {strides = array<i32>} : memref<48x640xf32, #tpu.memory_space<vmem>>, vector<1x16xf32>,
        %get3A_406 = vector.shape_cast %get3A_405 : vector<1x16xf32> to vector<16xf32>
        %add3A_407 = arith.constant 400 : i32
        %add3A_408 = arith.addi %get3A_103, %add3A_407 : i32
        %get3A_409 = arith.index_cast %add3A_408 : i32 to index
        %get3A_410 = tpu.vector_load %arg8[%get3A_409] {strides = array<i32>} : memref<3840xf32, #tpu.memory_space<vmem>>, vector<16xf32>,
        %get3A_411 = vector.shape_cast %get3A_410 : vector<16xf32> to vector<16xf32>
        %sub3A_412 = arith.subf %get3A_406, %get3A_411 : vector<16xf32>
        %mul3A_413 = arith.mulf %sub3A_412, %sub3A_412 : vector<16xf32>
        %add3A_414 = arith.addf %add3A_366, %mul3A_413 : vector<16xf32>
        %get3A_415 = arith.index_cast %scan3A_95 : i32 to index
        %get3A_416 = arith.constant 416 : index
        %get3A_417 = tpu.vector_load %arg7[%get3A_415, %get3A_416] {strides = array<i32>} : memref<48x640xf32, #tpu.memory_space<vmem>>, vector<1x16xf32>,
        %get3A_418 = vector.shape_cast %get3A_417 : vector<1x16xf32> to vector<16xf32>
        %add3A_419 = arith.constant 416 : i32
        %add3A_420 = arith.addi %get3A_103, %add3A_419 : i32
        %get3A_421 = arith.index_cast %add3A_420 : i32 to index
        %get3A_422 = tpu.vector_load %arg8[%get3A_421] {strides = array<i32>} : memref<3840xf32, #tpu.memory_space<vmem>>, vector<16xf32>,
        %get3A_423 = vector.shape_cast %get3A_422 : vector<16xf32> to vector<16xf32>
        %sub3A_424 = arith.subf %get3A_418, %get3A_423 : vector<16xf32>
        %mul3A_425 = arith.mulf %sub3A_424, %sub3A_424 : vector<16xf32>
        %add3A_426 = arith.addf %add3A_378, %mul3A_425 : vector<16xf32>
        %get3A_427 = arith.index_cast %scan3A_95 : i32 to index
        %get3A_428 = arith.constant 432 : index
        %get3A_429 = tpu.vector_load %arg7[%get3A_427, %get3A_428] {strides = array<i32>} : memref<48x640xf32, #tpu.memory_space<vmem>>, vector<1x16xf32>,
        %get3A_430 = vector.shape_cast %get3A_429 : vector<1x16xf32> to vector<16xf32>
        %add3A_431 = arith.constant 432 : i32
        %add3A_432 = arith.addi %get3A_103, %add3A_431 : i32
        %get3A_433 = arith.index_cast %add3A_432 : i32 to index
        %get3A_434 = tpu.vector_load %arg8[%get3A_433] {strides = array<i32>} : memref<3840xf32, #tpu.memory_space<vmem>>, vector<16xf32>,
        %get3A_435 = vector.shape_cast %get3A_434 : vector<16xf32> to vector<16xf32>
        %sub3A_436 = arith.subf %get3A_430, %get3A_435 : vector<16xf32>
        %mul3A_437 = arith.mulf %sub3A_436, %sub3A_436 : vector<16xf32>
        %add3A_438 = arith.addf %add3A_390, %mul3A_437 : vector<16xf32>
        %get3A_439 = arith.index_cast %scan3A_95 : i32 to index
        %get3A_440 = arith.constant 448 : index
        %get3A_441 = tpu.vector_load %arg7[%get3A_439, %get3A_440] {strides = array<i32>} : memref<48x640xf32, #tpu.memory_space<vmem>>, vector<1x16xf32>,
        %get3A_442 = vector.shape_cast %get3A_441 : vector<1x16xf32> to vector<16xf32>
        %add3A_443 = arith.constant 448 : i32
        %add3A_444 = arith.addi %get3A_103, %add3A_443 : i32
        %get3A_445 = arith.index_cast %add3A_444 : i32 to index
        %get3A_446 = tpu.vector_load %arg8[%get3A_445] {strides = array<i32>} : memref<3840xf32, #tpu.memory_space<vmem>>, vector<16xf32>,
        %get3A_447 = vector.shape_cast %get3A_446 : vector<16xf32> to vector<16xf32>
        %sub3A_448 = arith.subf %get3A_442, %get3A_447 : vector<16xf32>
        %mul3A_449 = arith.mulf %sub3A_448, %sub3A_448 : vector<16xf32>
        %add3A_450 = arith.addf %add3A_402, %mul3A_449 : vector<16xf32>
        %get3A_451 = arith.index_cast %scan3A_95 : i32 to index
        %get3A_452 = arith.constant 464 : index
        %get3A_453 = tpu.vector_load %arg7[%get3A_451, %get3A_452] {strides = array<i32>} : memref<48x640xf32, #tpu.memory_space<vmem>>, vector<1x16xf32>,
        %get3A_454 = vector.shape_cast %get3A_453 : vector<1x16xf32> to vector<16xf32>
        %add3A_455 = arith.constant 464 : i32
        %add3A_456 = arith.addi %get3A_103, %add3A_455 : i32
        %get3A_457 = arith.index_cast %add3A_456 : i32 to index
        %get3A_458 = tpu.vector_load %arg8[%get3A_457] {strides = array<i32>} : memref<3840xf32, #tpu.memory_space<vmem>>, vector<16xf32>,
        %get3A_459 = vector.shape_cast %get3A_458 : vector<16xf32> to vector<16xf32>
        %sub3A_460 = arith.subf %get3A_454, %get3A_459 : vector<16xf32>
        %mul3A_461 = arith.mulf %sub3A_460, %sub3A_460 : vector<16xf32>
        %add3A_462 = arith.addf %add3A_414, %mul3A_461 : vector<16xf32>
        %get3A_463 = arith.index_cast %scan3A_95 : i32 to index
        %get3A_464 = arith.constant 480 : index
        %get3A_465 = tpu.vector_load %arg7[%get3A_463, %get3A_464] {strides = array<i32>} : memref<48x640xf32, #tpu.memory_space<vmem>>, vector<1x16xf32>,
        %get3A_466 = vector.shape_cast %get3A_465 : vector<1x16xf32> to vector<16xf32>
        %add3A_467 = arith.constant 480 : i32
        %add3A_468 = arith.addi %get3A_103, %add3A_467 : i32
        %get3A_469 = arith.index_cast %add3A_468 : i32 to index
        %get3A_470 = tpu.vector_load %arg8[%get3A_469] {strides = array<i32>} : memref<3840xf32, #tpu.memory_space<vmem>>, vector<16xf32>,
        %get3A_471 = vector.shape_cast %get3A_470 : vector<16xf32> to vector<16xf32>
        %sub3A_472 = arith.subf %get3A_466, %get3A_471 : vector<16xf32>
        %mul3A_473 = arith.mulf %sub3A_472, %sub3A_472 : vector<16xf32>
        %add3A_474 = arith.addf %add3A_426, %mul3A_473 : vector<16xf32>
        %get3A_475 = arith.index_cast %scan3A_95 : i32 to index
        %get3A_476 = arith.constant 496 : index
        %get3A_477 = tpu.vector_load %arg7[%get3A_475, %get3A_476] {strides = array<i32>} : memref<48x640xf32, #tpu.memory_space<vmem>>, vector<1x16xf32>,
        %get3A_478 = vector.shape_cast %get3A_477 : vector<1x16xf32> to vector<16xf32>
        %add3A_479 = arith.constant 496 : i32
        %add3A_480 = arith.addi %get3A_103, %add3A_479 : i32
        %get3A_481 = arith.index_cast %add3A_480 : i32 to index
        %get3A_482 = tpu.vector_load %arg8[%get3A_481] {strides = array<i32>} : memref<3840xf32, #tpu.memory_space<vmem>>, vector<16xf32>,
        %get3A_483 = vector.shape_cast %get3A_482 : vector<16xf32> to vector<16xf32>
        %sub3A_484 = arith.subf %get3A_478, %get3A_483 : vector<16xf32>
        %mul3A_485 = arith.mulf %sub3A_484, %sub3A_484 : vector<16xf32>
        %add3A_486 = arith.addf %add3A_438, %mul3A_485 : vector<16xf32>
        %get3A_487 = arith.index_cast %scan3A_95 : i32 to index
        %get3A_488 = arith.constant 512 : index
        %get3A_489 = tpu.vector_load %arg7[%get3A_487, %get3A_488] {strides = array<i32>} : memref<48x640xf32, #tpu.memory_space<vmem>>, vector<1x16xf32>,
        %get3A_490 = vector.shape_cast %get3A_489 : vector<1x16xf32> to vector<16xf32>
        %add3A_491 = arith.constant 512 : i32
        %add3A_492 = arith.addi %get3A_103, %add3A_491 : i32
        %get3A_493 = arith.index_cast %add3A_492 : i32 to index
        %get3A_494 = tpu.vector_load %arg8[%get3A_493] {strides = array<i32>} : memref<3840xf32, #tpu.memory_space<vmem>>, vector<16xf32>,
        %get3A_495 = vector.shape_cast %get3A_494 : vector<16xf32> to vector<16xf32>
        %sub3A_496 = arith.subf %get3A_490, %get3A_495 : vector<16xf32>
        %mul3A_497 = arith.mulf %sub3A_496, %sub3A_496 : vector<16xf32>
        %add3A_498 = arith.addf %add3A_450, %mul3A_497 : vector<16xf32>
        %get3A_499 = arith.index_cast %scan3A_95 : i32 to index
        %get3A_500 = arith.constant 528 : index
        %get3A_501 = tpu.vector_load %arg7[%get3A_499, %get3A_500] {strides = array<i32>} : memref<48x640xf32, #tpu.memory_space<vmem>>, vector<1x16xf32>,
        %get3A_502 = vector.shape_cast %get3A_501 : vector<1x16xf32> to vector<16xf32>
        %add3A_503 = arith.constant 528 : i32
        %add3A_504 = arith.addi %get3A_103, %add3A_503 : i32
        %get3A_505 = arith.index_cast %add3A_504 : i32 to index
        %get3A_506 = tpu.vector_load %arg8[%get3A_505] {strides = array<i32>} : memref<3840xf32, #tpu.memory_space<vmem>>, vector<16xf32>,
        %get3A_507 = vector.shape_cast %get3A_506 : vector<16xf32> to vector<16xf32>
        %sub3A_508 = arith.subf %get3A_502, %get3A_507 : vector<16xf32>
        %mul3A_509 = arith.mulf %sub3A_508, %sub3A_508 : vector<16xf32>
        %add3A_510 = arith.addf %add3A_462, %mul3A_509 : vector<16xf32>
        %get3A_511 = arith.index_cast %scan3A_95 : i32 to index
        %get3A_512 = arith.constant 544 : index
        %get3A_513 = tpu.vector_load %arg7[%get3A_511, %get3A_512] {strides = array<i32>} : memref<48x640xf32, #tpu.memory_space<vmem>>, vector<1x16xf32>,
        %get3A_514 = vector.shape_cast %get3A_513 : vector<1x16xf32> to vector<16xf32>
        %add3A_515 = arith.constant 544 : i32
        %add3A_516 = arith.addi %get3A_103, %add3A_515 : i32
        %get3A_517 = arith.index_cast %add3A_516 : i32 to index
        %get3A_518 = tpu.vector_load %arg8[%get3A_517] {strides = array<i32>} : memref<3840xf32, #tpu.memory_space<vmem>>, vector<16xf32>,
        %get3A_519 = vector.shape_cast %get3A_518 : vector<16xf32> to vector<16xf32>
        %sub3A_520 = arith.subf %get3A_514, %get3A_519 : vector<16xf32>
        %mul3A_521 = arith.mulf %sub3A_520, %sub3A_520 : vector<16xf32>
        %add3A_522 = arith.addf %add3A_474, %mul3A_521 : vector<16xf32>
        %get3A_523 = arith.index_cast %scan3A_95 : i32 to index
        %get3A_524 = arith.constant 560 : index
        %get3A_525 = tpu.vector_load %arg7[%get3A_523, %get3A_524] {strides = array<i32>} : memref<48x640xf32, #tpu.memory_space<vmem>>, vector<1x16xf32>,
        %get3A_526 = vector.shape_cast %get3A_525 : vector<1x16xf32> to vector<16xf32>
        %add3A_527 = arith.constant 560 : i32
        %add3A_528 = arith.addi %get3A_103, %add3A_527 : i32
        %get3A_529 = arith.index_cast %add3A_528 : i32 to index
        %get3A_530 = tpu.vector_load %arg8[%get3A_529] {strides = array<i32>} : memref<3840xf32, #tpu.memory_space<vmem>>, vector<16xf32>,
        %get3A_531 = vector.shape_cast %get3A_530 : vector<16xf32> to vector<16xf32>
        %sub3A_532 = arith.subf %get3A_526, %get3A_531 : vector<16xf32>
        %mul3A_533 = arith.mulf %sub3A_532, %sub3A_532 : vector<16xf32>
        %add3A_534 = arith.addf %add3A_486, %mul3A_533 : vector<16xf32>
        %get3A_535 = arith.index_cast %scan3A_95 : i32 to index
        %get3A_536 = arith.constant 576 : index
        %get3A_537 = tpu.vector_load %arg7[%get3A_535, %get3A_536] {strides = array<i32>} : memref<48x640xf32, #tpu.memory_space<vmem>>, vector<1x16xf32>,
        %get3A_538 = vector.shape_cast %get3A_537 : vector<1x16xf32> to vector<16xf32>
        %add3A_539 = arith.constant 576 : i32
        %add3A_540 = arith.addi %get3A_103, %add3A_539 : i32
        %get3A_541 = arith.index_cast %add3A_540 : i32 to index
        %get3A_542 = tpu.vector_load %arg8[%get3A_541] {strides = array<i32>} : memref<3840xf32, #tpu.memory_space<vmem>>, vector<16xf32>,
        %get3A_543 = vector.shape_cast %get3A_542 : vector<16xf32> to vector<16xf32>
        %sub3A_544 = arith.subf %get3A_538, %get3A_543 : vector<16xf32>
        %mul3A_545 = arith.mulf %sub3A_544, %sub3A_544 : vector<16xf32>
        %add3A_546 = arith.addf %add3A_498, %mul3A_545 : vector<16xf32>
        %get3A_547 = arith.index_cast %scan3A_95 : i32 to index
        %get3A_548 = arith.constant 592 : index
        %get3A_549 = tpu.vector_load %arg7[%get3A_547, %get3A_548] {strides = array<i32>} : memref<48x640xf32, #tpu.memory_space<vmem>>, vector<1x16xf32>,
        %get3A_550 = vector.shape_cast %get3A_549 : vector<1x16xf32> to vector<16xf32>
        %add3A_551 = arith.constant 592 : i32
        %add3A_552 = arith.addi %get3A_103, %add3A_551 : i32
        %get3A_553 = arith.index_cast %add3A_552 : i32 to index
        %get3A_554 = tpu.vector_load %arg8[%get3A_553] {strides = array<i32>} : memref<3840xf32, #tpu.memory_space<vmem>>, vector<16xf32>,
        %get3A_555 = vector.shape_cast %get3A_554 : vector<16xf32> to vector<16xf32>
        %sub3A_556 = arith.subf %get3A_550, %get3A_555 : vector<16xf32>
        %mul3A_557 = arith.mulf %sub3A_556, %sub3A_556 : vector<16xf32>
        %add3A_558 = arith.addf %add3A_510, %mul3A_557 : vector<16xf32>
        %get3A_559 = arith.index_cast %scan3A_95 : i32 to index
        %get3A_560 = arith.constant 608 : index
        %get3A_561 = tpu.vector_load %arg7[%get3A_559, %get3A_560] {strides = array<i32>} : memref<48x640xf32, #tpu.memory_space<vmem>>, vector<1x16xf32>,
        %get3A_562 = vector.shape_cast %get3A_561 : vector<1x16xf32> to vector<16xf32>
        %add3A_563 = arith.constant 608 : i32
        %add3A_564 = arith.addi %get3A_103, %add3A_563 : i32
        %get3A_565 = arith.index_cast %add3A_564 : i32 to index
        %get3A_566 = tpu.vector_load %arg8[%get3A_565] {strides = array<i32>} : memref<3840xf32, #tpu.memory_space<vmem>>, vector<16xf32>,
        %get3A_567 = vector.shape_cast %get3A_566 : vector<16xf32> to vector<16xf32>
        %sub3A_568 = arith.subf %get3A_562, %get3A_567 : vector<16xf32>
        %mul3A_569 = arith.mulf %sub3A_568, %sub3A_568 : vector<16xf32>
        %add3A_570 = arith.addf %add3A_522, %mul3A_569 : vector<16xf32>
        %get3A_571 = arith.index_cast %scan3A_95 : i32 to index
        %get3A_572 = arith.constant 624 : index
        %get3A_573 = tpu.vector_load %arg7[%get3A_571, %get3A_572] {strides = array<i32>} : memref<48x640xf32, #tpu.memory_space<vmem>>, vector<1x16xf32>,
        %get3A_574 = vector.shape_cast %get3A_573 : vector<1x16xf32> to vector<16xf32>
        %add3A_575 = arith.constant 624 : i32
        %add3A_576 = arith.addi %get3A_103, %add3A_575 : i32
        %get3A_577 = arith.index_cast %add3A_576 : i32 to index
        %get3A_578 = tpu.vector_load %arg8[%get3A_577] {strides = array<i32>} : memref<3840xf32, #tpu.memory_space<vmem>>, vector<16xf32>,
        %get3A_579 = vector.shape_cast %get3A_578 : vector<16xf32> to vector<16xf32>
        %sub3A_580 = arith.subf %get3A_574, %get3A_579 : vector<16xf32>
        %mul3A_581 = arith.mulf %sub3A_580, %sub3A_580 : vector<16xf32>
        %add3A_582 = arith.addf %add3A_534, %mul3A_581 : vector<16xf32>
        scf.yield %add3A_546, %add3A_558, %add3A_570, %add3A_582 : vector<16xf32>, vector<16xf32>, vector<16xf32>, vector<16xf32>
      }
      %scan3A_87 = arith.constant 48 : i32
      %add3A_88 = arith.constant 2 : i32
      %add3A_89 = arith.addi %add3A_75, %add3A_88 : i32
      %lt3A_90 = arith.constant 4 : i32
      %lt3A_91 = arith.cmpi slt, %add3A_89, %lt3A_90 : i32
      %convert_element_type3A_92 = arith.extui %lt3A_91 : i1 to i32
      %cond3A_93 = arith.constant 0 : i32
      %cond3A_94 = arith.cmpi ne, %convert_element_type3A_92, %cond3A_93 : i32
      scf.if %cond3A_94 {
        %add3A_95 = arith.constant 2 : i32
        %add3A_96 = arith.addi %add3A_75, %add3A_95 : i32
        %mul3A_97 = arith.constant 48 : i32
        %mul3A_98 = arith.muli %add3A_96, %mul3A_97 : i32
        %add3A_99 = arith.addi %mul3A_2, %mul3A_98 : i32
        %dma_start3A_100 = arith.constant 0 : i32
        %dma_start3A_101 = tpu.memref_slice %arg2[%add3A_99, %dma_start3A_100] : memref<16384x640xf32, #tpu.memory_space<hbm>> -> memref<48x640xf32, #tpu.memory_space<hbm>>
        %dma_start3A_102 = arith.constant 0 : i32
        %dma_start3A_103 = tpu.memref_slice %arg2[%add3A_99, %dma_start3A_102] : memref<16384x640xf32, #tpu.memory_space<hbm>> -> memref<48x640xf32, #tpu.memory_space<hbm>>
        tpu.enqueue_dma source(%dma_start3A_103 : memref<48x640xf32, #tpu.memory_space<hbm>>) target(%arg7 : memref<48x640xf32, #tpu.memory_space<vmem>>) target_semaphore(%arg13 : memref<!tpu.dma_semaphore, #tpu.memory_space<semaphore_mem>>)
      } else {
      }
      scf.yield %scan3A_86#0, %scan3A_86#1, %scan3A_86#2, %scan3A_86#3 : vector<16xf32>, vector<16xf32>, vector<16xf32>, vector<16xf32>
    }
    %scan3A_33 = arith.constant 2 : i32
    %add3A_34 = arith.addf %scan3A_32#0, %scan3A_32#1 : vector<16xf32>
    %add3A_35 = arith.addf %scan3A_32#2, %scan3A_32#3 : vector<16xf32>
    %add3A_36 = arith.addf %add3A_34, %add3A_35 : vector<16xf32>
    %lt3A = arith.constant 6 : i32
    %lt3A_37 = vector.broadcast %lt3A : i32 to vector<16xi32>
    %lt3A_38 = arith.cmpi slt, %iota3A, %lt3A_37 : vector<16xi32>
    %jit3A = arith.constant 0.000000e+00 : f32
    %broadcast_in_dim3A_39 = vector.broadcast %jit3A : f32 to vector<16xf32>
    %select_n3A = arith.select %lt3A_38, %scan3A_18, %broadcast_in_dim3A_39 : vector<16xi1>, vector<16xf32>
    %swap3A = arith.constant 0 : index
    %swap3A_40 = tpu.vector_load %arg10[%swap3A] {strides = array<i32>} : memref<32xf32, #tpu.memory_space<vmem>>, vector<16xf32>,
    %swap3A_41 = vector.shape_cast %swap3A_40 : vector<16xf32> to vector<16xf32>
    %swap3A_42 = vector.shape_cast %add3A_36 : vector<16xf32> to vector<16xf32>
    tpu.vector_store %arg10[%swap3A], %swap3A_42 {strides = array<i32>} : memref<32xf32, #tpu.memory_space<vmem>>, vector<16xf32>,
    %swap3A_43 = arith.constant 16 : index
    %swap3A_44 = tpu.vector_load %arg10[%swap3A_43] {strides = array<i32>} : memref<32xf32, #tpu.memory_space<vmem>>, vector<16xf32>,
    %swap3A_45 = vector.shape_cast %swap3A_44 : vector<16xf32> to vector<16xf32>
    %swap3A_46 = vector.shape_cast %select_n3A : vector<16xf32> to vector<16xf32>
    tpu.vector_store %arg10[%swap3A_43], %swap3A_46 {strides = array<i32>} : memref<32xf32, #tpu.memory_space<vmem>>, vector<16xf32>,
    "tpu.region"() ({
      %run_scoped3A = tpu.sem_alloc : memref<!tpu.dma_semaphore, #tpu.memory_space<semaphore_mem>>
      %dma_start3A_47 = arith.constant 0 : i32
      %dma_start3A_48 = tpu.memref_slice %arg5[%add3A, %dma_start3A_47] : memref<32x32xf32, #tpu.memory_space<hbm>> -> memref<1x32xf32, #tpu.memory_space<hbm>>
      %dma_start3A_49 = tpu.memref_squeeze %dma_start3A_48 : memref<1x32xf32, #tpu.memory_space<hbm>> -> memref<32xf32, #tpu.memory_space<hbm>>
      %dma_start3A_50 = arith.constant 0 : i32
      %dma_start3A_51 = tpu.memref_slice %arg5[%add3A, %dma_start3A_50] : memref<32x32xf32, #tpu.memory_space<hbm>> -> memref<1x32xf32, #tpu.memory_space<hbm>>
      %dma_start3A_52 = tpu.memref_squeeze %dma_start3A_51 : memref<1x32xf32, #tpu.memory_space<hbm>> -> memref<32xf32, #tpu.memory_space<hbm>>
      tpu.enqueue_dma source(%arg10 : memref<32xf32, #tpu.memory_space<vmem>>) target(%dma_start3A_52 : memref<32xf32, #tpu.memory_space<hbm>>) target_semaphore(%run_scoped3A : memref<!tpu.dma_semaphore, #tpu.memory_space<semaphore_mem>>)
      %dma_wait3A = arith.constant 0 : i32
      %dma_wait3A_53 = tpu.memref_slice %arg5[%add3A, %dma_wait3A] : memref<32x32xf32, #tpu.memory_space<hbm>> -> memref<1x32xf32, #tpu.memory_space<hbm>>
      %dma_wait3A_54 = tpu.memref_squeeze %dma_wait3A_53 : memref<1x32xf32, #tpu.memory_space<hbm>> -> memref<32xf32, #tpu.memory_space<hbm>>
      %dma_wait3A_55 = arith.constant 0 : i32
      %dma_wait3A_56 = tpu.memref_slice %arg5[%add3A, %dma_wait3A_55] : memref<32x32xf32, #tpu.memory_space<hbm>> -> memref<1x32xf32, #tpu.memory_space<hbm>>
      %dma_wait3A_57 = tpu.memref_squeeze %dma_wait3A_56 : memref<1x32xf32, #tpu.memory_space<hbm>> -> memref<32xf32, #tpu.memory_space<hbm>>
      tpu.wait_dma2 semaphore(%run_scoped3A : memref<!tpu.dma_semaphore, #tpu.memory_space<semaphore_mem>>) src(%arg10 : memref<32xf32, #tpu.memory_space<vmem>>) dst(%dma_wait3A_57 : memref<32xf32, #tpu.memory_space<hbm>>)
      tpu.yield
    }) : () -> ()
    return
  }
}

module attributes {stable_mosaic.version = 14 : i64} {
  func.func @_tc_body(%arg0: i32, %arg1: memref<2048x640xf32, #tpu.memory_space<vmem>>, %arg2: memref<2048x1xi32, #tpu.memory_space<vmem>>, %arg3: memref<640x8xf32, #tpu.memory_space<vmem>>, %arg4: memref<1x2xf32, #tpu.memory_space<smem>>, %arg5: memref<2xf32, #tpu.memory_space<smem>>) attributes {dimension_semantics = [#tpu.dimension_semantics<arbitrary>], iteration_bounds = array<i64: 5>, scalar_prefetch = 0 : i64, scratch_operands = 1 : i64, tpu.core_type = #tpu.core_type<tc>, window_params = [{transform_indices = @transform_0, window_bounds = array<i64: 2048, 640>}, {transform_indices = @transform_1, window_bounds = array<i64: 2048, 1>}, {pipeline_mode = #tpu.pipeline_mode<synchronous>, transform_indices = @transform_2, window_bounds = array<i64: 640, 8>}, {transform_indices = @transform_3, window_bounds = array<i64: 1, 2>}]} {
    %eq3A = arith.constant 0 : i32
    %eq3A_0 = arith.cmpi eq, %arg0, %eq3A : i32
    %convert_element_type3A = arith.extui %eq3A_0 : i1 to i32
    %cond3A = arith.constant 0 : i32
    %cond3A_1 = arith.cmpi ne, %convert_element_type3A, %cond3A : i32
    scf.if %cond3A_1 {
      %swap3A_61 = arith.constant 0.000000e+00 : f32
      %swap3A_62 = arith.constant 0 : index
      %swap3A_63 = memref.load %arg5[%swap3A_62] : memref<2xf32, #tpu.memory_space<smem>>
      memref.store %swap3A_61, %arg5[%swap3A_62] : memref<2xf32, #tpu.memory_space<smem>>
      %swap3A_64 = arith.constant 0.000000e+00 : f32
      %swap3A_65 = arith.constant 1 : index
      %swap3A_66 = memref.load %arg5[%swap3A_65] : memref<2xf32, #tpu.memory_space<smem>>
      memref.store %swap3A_64, %arg5[%swap3A_65] : memref<2xf32, #tpu.memory_space<smem>>
    } else {
    }
    %get3A = arith.constant 0 : index
    %get3A_2 = arith.constant 0 : index
    %get3A_3 = vector.load %arg1[%get3A, %get3A_2] : memref<2048x640xf32, #tpu.memory_space<vmem>>, vector<2048x640xf32>
    %get3A_4 = arith.constant 0 : index
    %get3A_5 = arith.constant 0 : index
    %get3A_6 = vector.load %arg2[%get3A_4, %get3A_5] : memref<2048x1xi32, #tpu.memory_space<vmem>>, vector<2048x1xi32>
    %get3A_7 = arith.constant 0 : index
    %get3A_8 = arith.constant 0 : index
    %get3A_9 = vector.load %arg3[%get3A_7, %get3A_8] : memref<640x8xf32, #tpu.memory_space<vmem>>, vector<640x8xf32>
    %lt3A = arith.constant 6 : i32
    %lt3A_10 = vector.broadcast %lt3A : i32 to vector<2048x1xi32>
    %lt3A_11 = arith.cmpi slt, %get3A_6, %lt3A_10 : vector<2048x1xi32>
    %convert_element_type3A_12 = arith.extui %lt3A_11 : vector<2048x1xi1> to vector<2048x1xi32>
    %convert_element_type3A_13 = arith.sitofp %convert_element_type3A_12 : vector<2048x1xi32> to vector<2048x1xf32>
    %iota3A = tpu.iota {dimensions = array<i32: 1>} : vector<2048x8xi32>
    %eq3A_14 = vector.broadcast %get3A_6 : vector<2048x1xi32> to vector<2048x8xi32>
    %eq3A_15 = arith.cmpi eq, %eq3A_14, %iota3A : vector<2048x8xi32>
    %convert_element_type3A_16 = arith.extui %eq3A_15 : vector<2048x8xi1> to vector<2048x8xi32>
    %convert_element_type3A_17 = arith.sitofp %convert_element_type3A_16 : vector<2048x8xi32> to vector<2048x8xf32>
    %mul3A = vector.broadcast %convert_element_type3A_13 : vector<2048x1xf32> to vector<2048x8xf32>
    %mul3A_18 = arith.mulf %convert_element_type3A_17, %mul3A : vector<2048x8xf32>
    %dot_general3A = arith.constant dense<0.000000e+00> : vector<2048x8xf32>
    %dot_general3A_19 = tpu.matmul %get3A_3, %get3A_9, %dot_general3A {dimension_numbers = #tpu.dot_dimension_numbers<[1], [0], [0], [1], [0, 0, 1, 1], [], []>, transpose_lhs_hint = false} : vector<2048x640xf32>, vector<640x8xf32>, vector<2048x8xf32> -> vector<2048x8xf32>
    %mul3A_20 = arith.mulf %get3A_9, %get3A_9 : vector<640x8xf32>
    %reduce_sum3A = arith.constant dense<0.000000e+00> : vector<8xf32>
    %reduce_sum3A_21 = vector.multi_reduction <add>, %mul3A_20, %reduce_sum3A [0] : vector<640x8xf32> to vector<8xf32>
    %broadcast_in_dim3A = vector.shape_cast %reduce_sum3A_21 : vector<8xf32> to vector<1x8xf32>
    %mul3A_22 = arith.mulf %get3A_3, %get3A_3 : vector<2048x640xf32>
    %reduce_sum3A_23 = arith.constant dense<0.000000e+00> : vector<2048xf32>
    %reduce_sum3A_24 = vector.multi_reduction <add>, %mul3A_22, %reduce_sum3A_23 [1] : vector<2048x640xf32> to vector<2048xf32>
    %broadcast_in_dim3A_25 = vector.shape_cast %reduce_sum3A_24 : vector<2048xf32> to vector<2048x1xf32>
    %mul3A_26 = arith.mulf %broadcast_in_dim3A_25, %convert_element_type3A_13 : vector<2048x1xf32>
    %reduce_sum3A_27 = vector.shape_cast %mul3A_26 : vector<2048x1xf32> to vector<1x2048x1xf32>
    %reduce_sum3A_28 = arith.constant dense<0.000000e+00> : vector<1xf32>
    %reduce_sum3A_29 = vector.multi_reduction <add>, %reduce_sum3A_27, %reduce_sum3A_28 [1, 2] : vector<1x2048x1xf32> to vector<1xf32>
    %reduce_sum3A_30 = vector.shape_cast %reduce_sum3A_29 : vector<1xf32> to vector<1x1x1xf32>
    %reduce_sum3A_31 = vector.extract %reduce_sum3A_30[0, 0, 0] : f32 from vector<1x1x1xf32>
    %mul3A_32 = arith.constant 2.000000e+00 : f32
    %mul3A_33 = vector.broadcast %mul3A_32 : f32 to vector<2048x8xf32>
    %mul3A_34 = arith.mulf %mul3A_33, %dot_general3A_19 : vector<2048x8xf32>
    %sub3A = vector.broadcast %broadcast_in_dim3A : vector<1x8xf32> to vector<2048x8xf32>
    %sub3A_35 = arith.subf %sub3A, %mul3A_34 : vector<2048x8xf32>
    %mul3A_36 = arith.mulf %mul3A_18, %sub3A_35 : vector<2048x8xf32>
    %reduce_sum3A_37 = vector.shape_cast %mul3A_36 : vector<2048x8xf32> to vector<1x2048x8xf32>
    %reduce_sum3A_38 = arith.constant dense<0.000000e+00> : vector<1xf32>
    %reduce_sum3A_39 = vector.multi_reduction <add>, %reduce_sum3A_37, %reduce_sum3A_38 [1, 2] : vector<1x2048x8xf32> to vector<1xf32>
    %reduce_sum3A_40 = vector.shape_cast %reduce_sum3A_39 : vector<1xf32> to vector<1x1x1xf32>
    %reduce_sum3A_41 = vector.extract %reduce_sum3A_40[0, 0, 0] : f32 from vector<1x1x1xf32>
    %add3A = arith.addf %reduce_sum3A_31, %reduce_sum3A_41 : f32
    %get3A_42 = arith.constant 0 : index
    %get3A_43 = memref.load %arg5[%get3A_42] : memref<2xf32, #tpu.memory_space<smem>>
    %add3A_44 = arith.addf %get3A_43, %add3A : f32
    %swap3A = arith.constant 0 : index
    %swap3A_45 = memref.load %arg5[%swap3A] : memref<2xf32, #tpu.memory_space<smem>>
    memref.store %add3A_44, %arg5[%swap3A] : memref<2xf32, #tpu.memory_space<smem>>
    %get3A_46 = arith.constant 1 : index
    %get3A_47 = memref.load %arg5[%get3A_46] : memref<2xf32, #tpu.memory_space<smem>>
    %reduce_sum3A_48 = vector.shape_cast %convert_element_type3A_13 : vector<2048x1xf32> to vector<1x2048x1xf32>
    %reduce_sum3A_49 = arith.constant dense<0.000000e+00> : vector<1xf32>
    %reduce_sum3A_50 = vector.multi_reduction <add>, %reduce_sum3A_48, %reduce_sum3A_49 [1, 2] : vector<1x2048x1xf32> to vector<1xf32>
    %reduce_sum3A_51 = vector.shape_cast %reduce_sum3A_50 : vector<1xf32> to vector<1x1x1xf32>
    %reduce_sum3A_52 = vector.extract %reduce_sum3A_51[0, 0, 0] : f32 from vector<1x1x1xf32>
    %add3A_53 = arith.addf %get3A_47, %reduce_sum3A_52 : f32
    %swap3A_54 = arith.constant 1 : index
    %swap3A_55 = memref.load %arg5[%swap3A_54] : memref<2xf32, #tpu.memory_space<smem>>
    memref.store %add3A_53, %arg5[%swap3A_54] : memref<2xf32, #tpu.memory_space<smem>>
    %eq3A_56 = arith.constant 4 : i32
    %eq3A_57 = arith.cmpi eq, %arg0, %eq3A_56 : i32
    %convert_element_type3A_58 = arith.extui %eq3A_57 : i1 to i32
    %cond3A_59 = arith.constant 0 : i32
    %cond3A_60 = arith.cmpi ne, %convert_element_type3A_58, %cond3A_59 : i32
    scf.if %cond3A_60 {
      %get3A_61 = arith.constant 0 : index
      %get3A_62 = memref.load %arg5[%get3A_61] : memref<2xf32, #tpu.memory_space<smem>>
      %swap3A_63 = arith.constant 0 : index
      %swap3A_64 = arith.constant 0 : index
      %swap3A_65 = memref.load %arg4[%swap3A_63, %swap3A_64] : memref<1x2xf32, #tpu.memory_space<smem>>
      memref.store %get3A_62, %arg4[%swap3A_63, %swap3A_64] : memref<1x2xf32, #tpu.memory_space<smem>>
      %get3A_66 = arith.constant 1 : index
      %get3A_67 = memref.load %arg5[%get3A_66] : memref<2xf32, #tpu.memory_space<smem>>
      %swap3A_68 = arith.constant 0 : index
      %swap3A_69 = arith.constant 1 : index
      %swap3A_70 = memref.load %arg4[%swap3A_68, %swap3A_69] : memref<1x2xf32, #tpu.memory_space<smem>>
      memref.store %get3A_67, %arg4[%swap3A_68, %swap3A_69] : memref<1x2xf32, #tpu.memory_space<smem>>
    } else {
    }
    return
  }
  func.func @transform_0(%arg0: i32) -> (i32, i32) {
    %add3A = arith.constant 3 : i32
    %add3A_0 = arith.addi %arg0, %add3A : i32
    %c0_i32 = arith.constant 0 : i32
    %c0_i32_1 = arith.constant 0 : i32
    return %add3A_0, %c0_i32 : i32, i32
  }
  func.func @transform_1(%arg0: i32) -> (i32, i32) {
    %add3A = arith.constant 3 : i32
    %add3A_0 = arith.addi %arg0, %add3A : i32
    %c0_i32 = arith.constant 0 : i32
    %c0_i32_1 = arith.constant 0 : i32
    return %add3A_0, %c0_i32 : i32, i32
  }
  func.func @transform_2(%arg0: i32) -> (i32, i32) {
    %c0_i32 = arith.constant 0 : i32
    %c0_i32_0 = arith.constant 0 : i32
    %c0_i32_1 = arith.constant 0 : i32
    return %c0_i32, %c0_i32_0 : i32, i32
  }
  func.func @transform_3(%arg0: i32) -> (i32, i32) {
    %c0_i32 = arith.constant 0 : i32
    %c0_i32_0 = arith.constant 0 : i32
    %c0_i32_1 = arith.constant 0 : i32
    return %c0_i32, %c0_i32_0 : i32, i32
  }
}

</mosaic_0001>

<sc_bundles>
// kernel: _center_loss.4.cloned.1.call-start
scs
__scs_entry_jumppad:
0x0: {  	(pc) =	sbr.rel $0x88, $3  }
0x1: {  	(tag) =	ssettag $0x0;
	lr =	simm.s32 $0x1  }
0x2: {  	[smem:$0x3F9D] =	sst lr;
	_ =	strace $0xD0000000  }
0x3: {  	_ = 	snop  }
0x4: {  	_ = 	snop  }
0x5: {  	_ = 	snop  }
0x6: {  	_ = 	snop  }
0x7: {  	_ = 	snop  }
__scs_overlays_trampoline_lowered:
0x8: {  	[smem:$0x3FAC] =	sst s0  }
0x9: {  	[smem:$0x3FAD] =	sst s1  }
0xa: {  	[smem:$0x3FAE] =	sst s2  }
0xb: {  	[smem:$0x3FAF] =	sst s3  }
0xc: {  	[smem:$0x3FB0] =	sst s4  }
0xd: {  	[smem:$0x3FB1] =	sst s5  }
0xe: {  	[smem:$0x3FB2] =	sst s6  }
0xf: {  	[smem:$0x3FB3] =	sst s7  }
0x10: {  	[smem:$0x3FB4] =	sst s8  }
0x11: {  	[smem:$0x3FB5] =	sst s9;
	s0 =	simm.s32 @!p0 $0x0  }
0x12: {  	s1 =	sld [smem:$0x3F9B];
	s0 =	simm.s32 @p0 $0x1  }
0x13: {  	[smem:$0x3FB6] =	sst s0;
	s0 =	simm.s32 @!p1 $0x0  }
0x14: {  	s2 =	sld [smem:$0x3F9A];
	s0 =	simm.s32 @p1 $0x1  }
0x15: {  	[smem:$0x3FB7] =	sst s0;
	s0 =	simm.s32 @!p2 $0x0  }
0x16: {  	s3 =	sld [smem:$0x3FDB];
	s0 =	simm.s32 @p2 $0x1  }
0x17: {  	s4 =	simm.s32 $0x1BF5;
	[smem:$0x3FB9] =	sst s0  }
0x18: {  	s0 =	sld [smem:$0x3F9C];
	_ =	swait.ge [sflag:s4], $0x0  }
0x19: {  	s7 =	sld [smem:$0x3F9D]  }
0x1a: {  	s8 =	sadd.s32 $0xFFFFE003, lr  }
0x1b: {  	s9 =	sadd.s32 $0xFFFFFEF7, lr;
	s5 =	simm.s32 $0xFFFFFFFF;
	p2 =	slt.u32 s8, $0xFFFFF086  }
0x1c: {  	p1 =	slt.u32 s9, $0xF7A;
	s5 =	simm.s32 @!p2 $0x0  }
0x1d: {  	s5 =	simm.s32 @p1 $0x1;
	p0 =	seq.s32 s7, s2  }
0x1e: {  	s7 =	smul.u32 @!p0 $0xF7A, s2;
	p2 =	seq.s32 @!p0 s5, $0x0  }
0x1f: {  	s9 =	smul.u32 $0xF7A, s1;
	s8 =	simm.s32 @!p0 $0x1BF5;
	p2 =	por !p2, p0  }
0x20: {  	[sflag:s8] =	ssyncset.s32 @!p0 $0xFFFFF086;
	s6 =	sadd.s32 @!p0 s3, s7;
	s7 =	simm.s32 @!p0 $0x108  }
0x21: {  	s3 =	sadd.s32 s3, s9;
	s6 =	sadd.s32 @!p0 $0x88, s6;
	s7 =	simm.s32 @p2 $0x1082  }
0x22: {  	[simem:s7], [sflag:s8] =	dma.local @!p0 [hbm:s6], $0xF7A  }
0x23: {  	s9 =	sor.u32 $0xD0000000, s2;
	s6 =	simm.s32 $0x108;
	_ =	swait.ge @!p0 [sflag:s8], $0x0  }
0x24: {  	s3 =	sadd.s32 $0x88, s3;
	s6 =	simm.s32 @!p1 $0x1082;
	[sflag:s4] =	ssyncset.s32 $0xFFFFF086  }
0x25: {  	[simem:s6], [sflag:s4] =	dma.local [hbm:s3], $0xF7A  }
0x26: {  	[smem:$0x3F9D] =	sst s1;
	(tag) =	ssettag s2;
	_ =	strace s9  }
0x27: {  	s1 =	sld [smem:$0x3FAD]  }
0x28: {  	s2 =	sld [smem:$0x3FAE]  }
0x29: {  	s4 =	sld [smem:$0x3FB0]  }
0x2a: {  	p0 =	seq.s32 s5, $0x0;
	s5 =	sld [smem:$0x3FB1]  }
0x2b: {  	s6 =	sld [smem:$0x3FB2]  }
0x2c: {  	s7 =	sld [smem:$0x3FB3]  }
0x2d: {  	s3 =	simm.s32 $0x108;
	s8 =	sld [smem:$0x3FB4]  }
0x2e: {  	s3 =	simm.s32 @!p0 $0x1082;
	s9 =	sld [smem:$0x3FB5]  }
0x2f: {  	lr =	sadd.s32 s0, s3;
	s0 =	sld [smem:$0x3FAC]  }
0x30: {  	s3 =	sld [smem:$0x3FAF]  }
0x31: {  	[smem:$0x3FB8] =	sst s10  }
0x32: {  	s10 =	sld [smem:$0x3FB6];
	_ =	sdelay $0x3  }
0x33: {  	p0 =	seq.s32 s10, $0x1;
	s10 =	sld [smem:$0x3FB8];
	_ =	sdelay $0x3  }
0x34: {  	[smem:$0x3FB8] =	sst s10  }
0x35: {  	s10 =	sld [smem:$0x3FB7];
	_ =	sdelay $0x3  }
0x36: {  	p1 =	seq.s32 s10, $0x1;
	s10 =	sld [smem:$0x3FB8];
	_ =	sdelay $0x3  }
0x37: {  	[smem:$0x3FB8] =	sst s10  }
0x38: {  	s10 =	sld [smem:$0x3FB9]  }
0x39: {  	_ = 	snop;
	(pc) =	sbr.ind lr, $3  }
0x3a: {  	_ = 	snop  }
0x3b: {  	_ = 	snop  }
0x3c: {  	p2 =	seq.s32 s10, $0x1;
	s10 =	sld [smem:$0x3FB8]  }
0x3d: {  	_ =	shalt  }
0x3e: {  	_ =	shalt  }
0x3f: {  	_ =	shalt  }
0x40: {  	_ =	shalt  }
0x41: {  	_ =	shalt  }
0x42: {  	_ =	shalt  }
0x43: {  	_ =	shalt  }
0x44: {  	_ =	shalt  }
0x45: {  	_ =	shalt  }
0x46: {  	_ =	shalt  }
0x47: {  	_ =	shalt  }
0x48: {  	_ =	shalt  }
0x49: {  	_ =	shalt  }
0x4a: {  	_ =	shalt  }
0x4b: {  	_ =	shalt  }
0x4c: {  	_ =	shalt  }
0x4d: {  	_ =	shalt  }
0x4e: {  	_ =	shalt  }
0x4f: {  	_ =	shalt  }
0x50: {  	_ =	shalt  }
0x51: {  	_ =	shalt  }
0x52: {  	_ =	shalt  }
0x53: {  	_ =	shalt  }
0x54: {  	_ =	shalt  }
0x55: {  	_ =	shalt  }
0x56: {  	_ =	shalt  }
0x57: {  	_ =	shalt  }
0x58: {  	_ =	shalt  }
0x59: {  	_ =	shalt  }
0x5a: {  	_ =	shalt  }
0x5b: {  	_ =	shalt  }
0x5c: {  	_ =	shalt  }
0x5d: {  	_ =	shalt  }
0x5e: {  	_ =	shalt  }
0x5f: {  	_ =	shalt  }
0x60: {  	_ =	shalt  }
0x61: {  	_ =	shalt  }
0x62: {  	_ =	shalt  }
0x63: {  	_ =	shalt  }
0x64: {  	_ =	shalt  }
0x65: {  	_ =	shalt  }
0x66: {  	_ =	shalt  }
0x67: {  	_ =	shalt  }
0x68: {  	_ =	shalt  }
0x69: {  	_ =	shalt  }
0x6a: {  	_ =	shalt  }
0x6b: {  	_ =	shalt  }
0x6c: {  	_ =	shalt  }
0x6d: {  	_ =	shalt  }
0x6e: {  	_ =	shalt  }
0x6f: {  	_ =	shalt  }
0x70: {  	_ =	shalt  }
0x71: {  	_ =	shalt  }
0x72: {  	_ =	shalt  }
0x73: {  	_ =	shalt  }
0x74: {  	_ =	shalt  }
0x75: {  	_ =	shalt  }
0x76: {  	_ =	shalt  }
0x77: {  	_ =	shalt  }
0x78: {  	_ =	shalt  }
0x79: {  	_ =	shalt  }
0x7a: {  	_ =	shalt  }
0x7b: {  	_ =	shalt  }
0x7c: {  	_ =	shalt  }
0x7d: {  	_ =	shalt  }
0x7e: {  	_ =	shalt  }
0x7f: {  	_ =	shalt  }
0x80: {  	_ =	shalt  }
0x81: {  	_ =	shalt  }
0x82: {  	_ =	shalt  }
0x83: {  	_ =	shalt  }
0x84: {  	_ =	shalt  }
0x85: {  	_ =	shalt  }
0x86: {  	_ =	shalt  }
0x87: {  	_ =	shalt  }
.Lfunc_end0:
.L_simem_size_0:
called_computation_lowered:
.L_overlay_start_0:
0x88: {  	s2 =	sld [smem:$0x3FD9]  }
0x89: {  	s3 =	sld [smem:$0x3FFE];
	_ =	sdelay $0x1  }
0x8a: {  	s1 =	srdreg.scid  }
0x8b: {  	s0 =	sand.u32 $0x1, s1  }
0x8c: {  	s17 =	sshll.u32 s0, $0xA;
	s2 =	sadd.s32 s3, s2  }
0x8d: {  	s2 =	sadd.s32 s2, s17  }
0x8e: {  	[smem:$0x3FC4] =	sst s2  }
0x8f: {  	_ = 	snop  }
0x90: {  	s2 =	sld [smem:$0x3FC9]  }
0x91: {  	s18 =	sld [smem:$0x3FC8];
	(tm) =	ssettm $0x1  }
0x92: {  	s4 =	sld [smem:$0x3FFB];
	_ =	sdelay $0x3  }
0x93: {  	_ =	strace s4  }
0x94: {  	s4 =	sld [smem:$0x3FFC];
	_ =	sdelay $0x3  }
0x95: {  	_ =	strace s4  }
0x96: {  	s4 =	sld [smem:$0x3FFD];
	_ =	sdelay $0x3  }
0x97: {  	_ =	strace s4  }
0x98: {  	_ =	strace $0x8FFFFFFF  }
0x99: {  	s19 =	sld [smem:$0x3FDB];
	_ =	sdelay $0x1  }
0x9a: {  	s5 =	simm.s32 $_scs_section_size  }
0x9b: {  	s6 =	simm.s32 $_size__tile_overlayer_lowered;
	s7 =	simm.s32 $_tile_overlayer_lowered  }
0x9c: {  	s22 =	simm.s32 $0x1BFF;
	s21 =	sshll.u32 s7, $0x1;
	s4 =	sadd.s32 s5, s19  }
0x9d: {  	s8 =	simm.s32 $0x0;
	s20 =	sshll.u32 s6, $0x1;
	s6 =	sadd.s32 s21, s4  }
0x9e: {  	[timem:s8], [sflag:s22] =	dma.local [hbm:s6], s20  }
0x9f: {  	_ =	swait.ge [sflag:s22], s20  }
0xa0: {  	s5 =	ssub.s32 $0x0, s20;
	[sflag:s22] =	ssyncset.done $0x0  }
0xa1: {  	[sflag:s22] =	ssyncadd.s32 s5;
	_ =	sdelay $0x1  }
0xa2: {  	s23 =	simm.s32 $0x1B8B  }
0xa3: {  	_ =	swait.ge [sflag:s23], $0x1  }
0xa4: {  	[sflag:s23] =	ssyncset.done $0x0  }
0xa5: {  	s25 =	simm.s32 $0x1B8E;
	s24 =	sld [smem:$0x3FFE];
	[sflag:s23] =	ssyncadd.s32 $0xFFFFFFFF  }
0xa6: {  	s26 =	simm.s32 $execute0_lowered;
	[smem:$0x3FD2] =	sst s25  }
0xa7: {  	s6 =	sshll.u32 s26, $0x1;
	_ =	strace $0x80000046;
	[dreg:$0x1] =	wrdreg $0xFFFFFFFF  }
0xa8: {  	s28 =	simm.s32 $_size_execute0_lowered;
	s4 =	sadd.s32 s4, s6;
	[dreg:$0x0] =	wrdreg $0x0  }
0xa9: {  	s6 =	sshll.u32 s28, $0x1;
	[dreg:$0x2] =	wrdreg s4  }
0xaa: {  	[dreg:$0x3] =	wrdreg s6  }
0xab: {  	[dreg:$0x4] =	wrdreg $0xC0  }
0xac: {  	_ =	task [dreg:s8], $0x5FFFF  }
0xad: {  	[dreg:$0x1] =	wrdreg $0xFFFFFFFF  }
0xae: {  	[dreg:$0x0] =	wrdreg $0x60  }
0xaf: {  	[dreg:$0x2] =	wrdreg s2  }
0xb0: {  	[dreg:$0x3] =	wrdreg s18  }
0xb1: {  	[dreg:$0x4] =	wrdreg s24  }
0xb2: {  	[dreg:$0x5] =	wrdreg $0x9  }
0xb3: {  	_ =	task.clear_ibuf [dreg:s8], $0x6FFFF;
	_ =	strace $0x90000046  }
0xb4: {  	s29 =	simm.s32 $0x9;
	_ =	strace $0x80000048  }
0xb5: {  	_ =	swait.ge [sflag:s29], $0x1  }
0xb6: {  	[sflag:s29] =	ssyncadd.s32 $0xFFFFFFFF  }
0xb7: {  	_ =	strace $0x90000048  }
0xb8: {  	_ =	sfence  }
0xb9: {  	s30 =	sld [smem:$0x0];
	_ =	sdelay $0x2  }
0xba: {  	s31 =	sshll.u32 s1, $0xD;
	s1 =	sshrl.u32 s1, $0x2  }
0xbb: {  	s3 =	sand.u32 $0x4000, s31;
	s1 =	sadd.s32 s1, s30  }
0xbc: {  	s0 =	sor.u32 s3, s0;
	s1 =	sshll.u32 s1, $0x11  }
0xbd: {  	s0 =	sor.u32 s1, s0  }
0xbe: {  	s0 =	sadd.s32 $0x8F2B, s0  }
0xbf: {  	[sflag:s0] =	ssyncadd.remote.s32 $0x1  }
0xc0: {  	_ =	sfence.sel $0xFFFF  }
0xc1: {  	[dreg:$0x0] =	wrdreg $0xFFFFFFFF;
	(pc) =	sbr.abs _section_cstart, $3  }
0xc2: {  	[dreg:$0x1] =	wrdreg $0xFFFFFFFF  }
0xc3: {  	_ =	task.clear_ibuf [dreg:s8], $0x2FFFF;
	_ =	strace $0x9FFFFFFF  }
0xc4: {  	(tm) =	ssettm $0x7FFFFFFF  }
0xc5: {  	_ =	shalt  }
tec
execute0_lowered:
.L_overlay_start_1:
0x0: {  	(tag) =	ssettag $0x1  }
0x1: {  	s1 =	srdreg.scid;
	s5 =	rddreg [dreg:$0x0]  }
0x2: {  	s0 =	stileid.u32;
	s6 =	rddreg [dreg:$0x1]  }
0x3: {  	s8 =	rddreg [dreg:$0x2];
	s4 =	sand.u32 $0x1, s1;
	s30 =	sshll.u32 s0, $0x1  }
0x4: {  	s2 =	simm.s32 $0x0;
	s14 =	simm.s32 $0x7800;
	s7 =	sor.u32 s4, s30  }
0x5: {  	s15 =	simm.s32 $0x1;
	s16 =	simm.s32 $0x2;
	s3 =	smul.u32 $0xC0, s7  }
0x6: {  	s17 =	simm.s32 $0x10000;
	s18 =	simm.s32 $0x0;
	[smem:$0x7FF] =	sst s2  }
0x7: {  	s1 =	rddreg [dreg:$0x3];
	_ =	strace $0x80000047;
	s9 =	sshrl.u32 s3, $0x3  }
0x8: {  	s4 =	ssub.s32 $0x2, s4;
	s7 =	sshll.u32 s7, $0x4;
	s10 =	smul.u32 $0x1400, s9  }
0x9: {  	s11 =	sshrl.u32 s4, $0x1;
	s13 =	sadd.s32 s7, s8;
	s12 =	smul.u32 $0x280, s9  }
.Ltmp0:
0xa: {  	s11 =	ssub.s32 s4, s11;
	s3 =	sadd.s32 $0x200, s8;
	(pc) =	sbr.rel .LBB2_1-.Ltmp0, $4  }
0xb: {  	s4 =	sadd.s32 s6, s9;
	s9 =	sadd.s32 $0x400, s13;
	s10 =	sshrl.u32 s10, $0x3  }
0xc: {  	s13 =	simm.s32 $0xFF00;
	s31 =	sadd.s32 s5, s10;
	s5 =	sadd.s32 s5, s12  }
0xd: {  	s10 =	smax.u32 s11, $0x1;
	s11 =	simm.s32 $0xF000;
	s12 =	simm.s32 $0x3  }
0xe: {  	v0 =	vlaneseq.u32;
	s6 =	sadd.s32 $0xF00, s31;
	s7 =	sadd.s32 $0x1E00, s5;
	s8 =	sadd.s32 $0x2D00, s5  }
.LBB2_10:
0xf: {  	v0 =	vadd.f32 v6, v7;
	v1 =	vadd.f32 v2, v5;
	_ =	sdelay $0x1  }
0x10: {  	v0 =	vadd.f32 v1, v0;
	v1 =	vld [tilespmem:$0x1FFF0];
	_ =	sdelay $0x3  }
0x11: {  	vm0 =	vmmov $0x3f;
	s18 =	sadd.s32 $0x1, s18  }
0x12: {  	p0 =	sne.s32 s18, s10;
	[tilespmem:$0x10000] =	vst v0;
	v1 =	vnsel vm0, $0x0, v1  }
.Ltmp1:
0x13: {  	[tilespmem:$0x10010] =	vst v1;
	(pc) =	sbr.rel @!p0 .LBB2_11-.Ltmp1, $4  }
0x14: {  	[hbm4b:s9+s2] =	stream.linear.scatter [tilespmem:s17], [sflag:$0x3], $0x80, $0x38;
	[tilespmem:$0x10080] =	vst v63  }
0x15: {  	_ =	swait.ge [sflag:s12], $0x80  }
0x16: {  	[sflag:s12] =	ssyncset.done $0x0  }
0x17: {  	v0 =	vlaneseq.u32;
	[sflag:s12] =	ssyncadd.s32 $0xFFFFFF80  }
.LBB2_1:
0x18: {  	[tilespmem:s11], [sflag:$0x3] =	stream.linear.gather [hbm4b:s3+s2], $0xF00, $0x38;
	[tilespmem:$0x10080] =	vst v63  }
0x19: {  	_ =	swait.ge [sflag:s12], $0xF00  }
0x1a: {  	[sflag:s12] =	ssyncset.done $0x0  }
0x1b: {  	[sflag:s12] =	ssyncadd.s32 $0xFFFFF100  }
0x1c: {  	[tilespmem:s13], [sflag:$0x3] =	stream.linear.gather [hbm4b:s4+s2], $0xC0, $0x38;
	[tilespmem:$0x10080] =	vst v63  }
0x1d: {  	_ =	swait.ge [sflag:s12], $0xC0  }
0x1e: {  	[sflag:s12] =	ssyncset.done $0x0  }
0x1f: {  	[sflag:s12] =	ssyncadd.s32 $0xFFFFFF40  }
0x20: {  	[tilespmem:s2], [sflag:$0x1] =	stream.linear.gather [hbm4b:s5+s2], $0x7800, $0x38;
	[tilespmem:$0x10080] =	vst v63  }
0x21: {  	s19 =	simm.s32 $0x0  }
0x22: {  	[tilespmem:s14], [sflag:$0x2] =	stream.linear.gather [hbm4b:s6+s2], $0x7800, $0x38;
	[tilespmem:$0x10080] =	vst v63  }
0x23: {  	v3 =	vld [tilespmem:s19+$0xFF00];
	_ =	sdelay $0x4  }
0x24: {  	vm0 =	vlt.s32 v3, $0x5  }
0x25: {  	v1 =	vnsel vm0, $0x5, v3  }
0x26: {  	v1 =	vmul.u32 $0x280, v1;
	_ =	sdelay $0x1  }
0x27: {  	(v2sf) =	vpush v1, $0x2  }
0x28: {  	(v2sf) =	vpush v1, $0x1;
	_ =	sdelay $0x2  }
0x29: {  	(v2sf) =	vpush v1, $0x0  }
0x2a: {  	(v2sf) =	vpush v1, $0x3  }
0x2b: {  	v4 =	vbroadcast v3, $0x0;
	(v2sf) =	vpush v1, $0x4  }
0x2c: {  	v2 =	vimm.f32 $0.0e+00;
	(v2sf) =	vpush v1, $0x5  }
0x2d: {  	v5 =	vbroadcast v3, $0x1;
	vm0 =	veq.s32 v4, v0;
	(v2sf) =	vpush v1, $0x6  }
0x2e: {  	v4 =	vbroadcast v3, $0x2;
	v6 =	vsel vm0, $0x3F800000, v2;
	(v2sf) =	vpush v1, $0x7  }
0x2f: {  	vm0 =	veq.s32 v5, v0;
	v5 =	vadd.f32 v6, v2;
	(v2sf) =	vpush v1, $0x8  }
0x30: {  	v6 =	vbroadcast v3, $0x3;
	v7 =	vsel vm0, $0x3F800000, v2;
	(v2sf) =	vpush v1, $0x9  }
0x31: {  	vm0 =	veq.s32 v4, v0;
	v5 =	vadd.f32 v5, v7;
	(v2sf) =	vpush v1, $0xA  }
0x32: {  	v4 =	vbroadcast v3, $0x4;
	v7 =	vsel vm0, $0x3F800000, v2;
	(v2sf) =	vpush v1, $0xB  }
0x33: {  	vm0 =	veq.s32 v6, v0;
	v5 =	vadd.f32 v5, v7;
	(v2sf) =	vpush v1, $0xC  }
0x34: {  	v6 =	vbroadcast v3, $0x5;
	v7 =	vsel vm0, $0x3F800000, v2;
	(v2sf) =	vpush v1, $0xD;
	s20 =	spop (v2sf)  }
0x35: {  	vm0 =	veq.s32 v4, v0;
	v4 =	vadd.f32 v5, v7;
	s21 =	spop (v2sf);
	(v2sf) =	vpush v1, $0xE  }
0x36: {  	(v2sf) =	vpush v1, $0xF;
	v1 =	vsel vm0, $0x3F800000, v2  }
0x37: {  	v5 =	vbroadcast v3, $0x6;
	vm0 =	veq.s32 v6, v0;
	v1 =	vadd.f32 v4, v1  }
0x38: {  	v4 =	vsel vm0, $0x3F800000, v2  }
0x39: {  	v6 =	vbroadcast v3, $0x7;
	vm0 =	veq.s32 v5, v0;
	v1 =	vadd.f32 v1, v4  }
0x3a: {  	v4 =	vsel vm0, $0x3F800000, v2  }
0x3b: {  	s22 =	spop (v2sf);
	v5 =	vbroadcast v3, $0x8;
	vm0 =	veq.s32 v6, v0;
	v1 =	vadd.f32 v1, v4  }
0x3c: {  	[smem:s19] =	sst s22;
	v4 =	vsel vm0, $0x3F800000, v2  }
0x3d: {  	s31 =	spop (v2sf);
	[smem:$0x1] =	sst s21;
	v6 =	vbroadcast v3, $0x9;
	vm0 =	veq.s32 v5, v0;
	v4 =	vadd.f32 v1, v4  }
0x3e: {  	s21 =	spop (v2sf);
	[smem:$0x2] =	sst s20;
	v5 =	vsel vm0, $0x3F800000, v2  }
0x3f: {  	v7 =	vbroadcast v3, $0xA;
	s23 =	spop (v2sf);
	[smem:$0x3] =	sst s31;
	vm0 =	veq.s32 v6, v0;
	v4 =	vadd.f32 v4, v5  }
0x40: {  	s20 =	simm.s32 $0x10;
	s22 =	spop (v2sf);
	[smem:$0x4] =	sst s21;
	v5 =	vsel vm0, $0x3F800000, v2  }
0x41: {  	v6 =	vbroadcast v3, $0xB;
	v1 =	vld [tilespmem:s20+$0xFF00];
	vm0 =	veq.s32 v7, v0;
	v4 =	vadd.f32 v4, v5  }
0x42: {  	v7 =	vbroadcast v3, $0xC;
	v5 =	vsel vm0, $0x3F800000, v2  }
0x43: {  	s21 =	spop (v2sf);
	[smem:$0x5] =	sst s23;
	vm0 =	veq.s32 v6, v0;
	v4 =	vadd.f32 v4, v5  }
0x44: {  	s23 =	spop (v2sf);
	[smem:$0x6] =	sst s22;
	v6 =	vbroadcast v3, $0xD;
	v5 =	vsel vm0, $0x3F800000, v2;
	vm0 =	veq.s32 v7, v0  }
0x45: {  	s22 =	spop (v2sf);
	[smem:$0x7] =	sst s21;
	v4 =	vadd.f32 v4, v5;
	v5 =	vbroadcast v3, $0xE;
	v3 =	vbroadcast v3, $0xF  }
0x46: {  	s21 =	spop (v2sf);
	[smem:$0x8] =	sst s23;
	v8 =	vbroadcast v1, $0x1;
	v7 =	vsel vm0, $0x3F800000, v2;
	vm0 =	veq.s32 v6, v0  }
0x47: {  	[smem:$0x9] =	sst s22;
	v4 =	vadd.f32 v4, v7;
	vm1 =	veq.s32 v5, v0;
	vm2 =	veq.s32 v3, v0  }
0x48: {  	s22 =	spop (v2sf);
	[smem:$0xA] =	sst s21;
	v3 =	vsel vm0, $0x3F800000, v2;
	vm0 =	vlt.s32 v1, $0x5;
	v7 =	vbroadcast v1, $0x0  }
0x49: {  	s21 =	spop (v2sf);
	[smem:$0xB] =	sst s22;
	v6 =	vsel vm1, $0x3F800000, v2;
	v5 =	vsel vm2, $0x3F800000, v2;
	v3 =	vadd.f32 v4, v3  }
0x4a: {  	s22 =	spop (v2sf);
	[smem:$0xC] =	sst s21;
	v9 =	vnsel vm0, $0x5, v1;
	vm0 =	veq.s32 v8, v0;
	v4 =	vbroadcast v1, $0x2  }
0x4b: {  	s24 =	simm.s32 $0x80;
	s23 =	spop (v2sf);
	vm1 =	veq.s32 v7, v0;
	v6 =	vadd.f32 v3, v6;
	v3 =	vmul.u32 $0x280, v9  }
.LBB2_2:
0x4c: {  	[smem:s19+$0xD] =	sst s22  }
0x4d: {  	v7 =	vbroadcast v1, $0x3;
	v8 =	vbroadcast v1, $0x4;
	v5 =	vadd.f32 v6, v5;
	s25 =	spop (v2sf);
	s22 =	smov.u32 s24;
	s21 =	sadd.s32 $0x40, s24  }
0x4e: {  	p0 =	sne.s32 s24, $0x2C0;
	v6 =	vsel vm1, $0x3F800000, v2;
	v9 =	vbroadcast v1, $0x5;
	(v2sf) =	vpush v3, $0x2;
	[smem:s19+$0xE] =	sst s23  }
0x4f: {  	v5 =	vadd.f32 v6, v5;
	vm1 =	veq.s32 v7, v0;
	(v2sf) =	vpush v3, $0x1;
	[smem:s19+$0xF] =	sst s25;
	s19 =	smov.u32 s20  }
0x50: {  	v6 =	vsel vm0, $0x3F800000, v2;
	vm0 =	veq.s32 v8, v0;
	(v2sf) =	vpush v3, $0x0  }
0x51: {  	vm2 =	veq.s32 v4, v0;
	v5 =	vadd.f32 v5, v6;
	(v2sf) =	vpush v3, $0x3  }
0x52: {  	v4 =	vsel vm2, $0x3F800000, v2;
	vm2 =	veq.s32 v9, v0;
	(v2sf) =	vpush v3, $0x4  }
0x53: {  	v4 =	vadd.f32 v5, v4;
	v5 =	vbroadcast v1, $0x6;
	(v2sf) =	vpush v3, $0x5  }
0x54: {  	v7 =	vbroadcast v1, $0x7;
	v6 =	vsel vm1, $0x3F800000, v2;
	(v2sf) =	vpush v3, $0x6  }
0x55: {  	v4 =	vadd.f32 v4, v6;
	vm1 =	veq.s32 v5, v0;
	(v2sf) =	vpush v3, $0x7  }
0x56: {  	v5 =	vsel vm0, $0x3F800000, v2;
	vm0 =	veq.s32 v7, v0;
	(v2sf) =	vpush v3, $0x8  }
0x57: {  	v4 =	vadd.f32 v4, v5;
	v5 =	vbroadcast v1, $0x8;
	(v2sf) =	vpush v3, $0x9  }
0x58: {  	v6 =	vsel vm2, $0x3F800000, v2;
	v7 =	vbroadcast v1, $0x9;
	(v2sf) =	vpush v3, $0xA  }
0x59: {  	v4 =	vadd.f32 v4, v6;
	vm2 =	veq.s32 v5, v0;
	v5 =	vbroadcast v1, $0xA  }
0x5a: {  	vm3 =	veq.s32 v7, v0;
	v6 =	vsel vm1, $0x3F800000, v2;
	(v2sf) =	vpush v3, $0xB  }
0x5b: {  	v4 =	vadd.f32 v4, v6;
	vm1 =	veq.s32 v5, v0;
	(v2sf) =	vpush v3, $0xC  }
0x5c: {  	v5 =	vsel vm0, $0x3F800000, v2;
	v6 =	vbroadcast v1, $0xB;
	(v2sf) =	vpush v3, $0xD  }
0x5d: {  	v4 =	vadd.f32 v4, v5;
	v5 =	vbroadcast v1, $0xC;
	s20 =	spop (v2sf);
	(v2sf) =	vpush v3, $0xE  }
0x5e: {  	v7 =	vsel vm2, $0x3F800000, v2;
	vm2 =	veq.s32 v6, v0;
	s23 =	spop (v2sf);
	(v2sf) =	vpush v3, $0xF  }
0x5f: {  	v3 =	vadd.f32 v4, v7;
	vm0 =	veq.s32 v5, v0;
	v4 =	vbroadcast v1, $0xD;
	s24 =	spop (v2sf)  }
0x60: {  	v6 =	vbroadcast v1, $0xE;
	v5 =	vsel vm3, $0x3F800000, v2;
	v1 =	vbroadcast v1, $0xF;
	[smem:s19] =	sst s24;
	s24 =	spop (v2sf)  }
0x61: {  	[smem:s19+$0x1] =	sst s23;
	v3 =	vadd.f32 v3, v5;
	vm3 =	veq.s32 v4, v0;
	s23 =	spop (v2sf)  }
0x62: {  	v4 =	vsel vm1, $0x3F800000, v2;
	vm1 =	veq.s32 v6, v0;
	vm4 =	veq.s32 v1, v0;
	[smem:s19+$0x2] =	sst s20;
	s25 =	spop (v2sf)  }
0x63: {  	[smem:s19+$0x3] =	sst s24;
	v3 =	vadd.f32 v3, v4;
	s24 =	spop (v2sf)  }
0x64: {  	s20 =	sshra.s32 s22, $0x2;
	v4 =	vsel vm2, $0x3F800000, v2;
	[smem:s19+$0x4] =	sst s23;
	s22 =	spop (v2sf)  }
0x65: {  	v1 =	vld [tilespmem:s20+$0xFF00];
	[smem:s19+$0x5] =	sst s25;
	v3 =	vadd.f32 v3, v4;
	s23 =	spop (v2sf)  }
0x66: {  	v4 =	vsel vm0, $0x3F800000, v2;
	[smem:s19+$0x6] =	sst s24;
	s24 =	spop (v2sf)  }
0x67: {  	[smem:s19+$0x7] =	sst s22;
	v3 =	vadd.f32 v3, v4;
	s22 =	spop (v2sf)  }
.Ltmp2:
0x68: {  	v4 =	vsel vm3, $0x3F800000, v2;
	[smem:s19+$0x8] =	sst s23;
	(pc) =	sbr.rel @p0 .LBB2_2-.Ltmp2, $4  }
0x69: {  	v6 =	vsel vm1, $0x3F800000, v2;
	v5 =	vsel vm4, $0x3F800000, v2;
	[smem:s19+$0x9] =	sst s24;
	v3 =	vadd.f32 v3, v4;
	s23 =	spop (v2sf)  }
0x6a: {  	vm0 =	vlt.s32 v1, $0x5;
	v7 =	vbroadcast v1, $0x0;
	v8 =	vbroadcast v1, $0x1;
	[smem:s19+$0xA] =	sst s22;
	s24 =	spop (v2sf)  }
0x6b: {  	v4 =	vbroadcast v1, $0x2;
	v9 =	vnsel vm0, $0x5, v1;
	[smem:s19+$0xB] =	sst s23;
	v6 =	vadd.f32 v3, v6;
	s22 =	spop (v2sf)  }
0x6c: {  	v3 =	vmul.u32 $0x280, v9;
	vm1 =	veq.s32 v7, v0;
	vm0 =	veq.s32 v8, v0;
	[smem:s19+$0xC] =	sst s24;
	s23 =	spop (v2sf);
	s24 =	smov.u32 s21  }
0x6d: {  	v5 =	vadd.f32 v6, v5  }
0x6e: {  	v6 =	vsel vm1, $0x3F800000, v2;
	(v2sf) =	vpush v3, $0x2  }
0x6f: {  	(v2sf) =	vpush v3, $0x1;
	v5 =	vadd.f32 v6, v5  }
0x70: {  	v7 =	vsel vm0, $0x3F800000, v2;
	v6 =	vbroadcast v1, $0x3;
	(v2sf) =	vpush v3, $0x0  }
0x71: {  	vm14 =	veq.s32 v4, v0;
	v4 =	vbroadcast v1, $0x4;
	v5 =	vadd.f32 v5, v7  }
0x72: {  	(v2sf) =	vpush v3, $0x3;
	v7 =	vsel vm14, $0x3F800000, v2;
	vm15 =	veq.s32 v6, v0  }
0x73: {  	v6 =	vbroadcast v1, $0x5;
	(v2sf) =	vpush v3, $0x4;
	v5 =	vadd.f32 v5, v7  }
0x74: {  	vm4 =	veq.s32 v4, v0;
	(v2sf) =	vpush v3, $0x5;
	v7 =	vsel vm15, $0x3F800000, v2  }
0x75: {  	vm5 =	veq.s32 v6, v0;
	(v2sf) =	vpush v3, $0x6;
	v4 =	vadd.f32 v5, v7  }
0x76: {  	v6 =	vbroadcast v1, $0x6;
	(v2sf) =	vpush v3, $0x7;
	v5 =	vsel vm4, $0x3F800000, v2  }
0x77: {  	v7 =	vsel vm5, $0x3F800000, v2;
	(v2sf) =	vpush v3, $0x8;
	v4 =	vadd.f32 v4, v5  }
0x78: {  	vm6 =	veq.s32 v6, v0;
	(v2sf) =	vpush v3, $0x9;
	v5 =	vbroadcast v1, $0x7  }
0x79: {  	v6 =	vbroadcast v1, $0x8;
	(v2sf) =	vpush v3, $0xA;
	v4 =	vadd.f32 v4, v7  }
0x7a: {  	(v2sf) =	vpush v3, $0xB;
	vm7 =	veq.s32 v5, v0;
	v5 =	vsel vm6, $0x3F800000, v2  }
0x7b: {  	s21 =	spop (v2sf);
	(v2sf) =	vpush v3, $0xC;
	v4 =	vadd.f32 v4, v5  }
0x7c: {  	vm8 =	veq.s32 v6, v0;
	v7 =	vsel vm7, $0x3F800000, v2;
	(v2sf) =	vpush v3, $0xD  }
0x7d: {  	[smem:s19+$0xD] =	sst s22;
	v5 =	vbroadcast v1, $0x9;
	s24 =	spop (v2sf);
	(v2sf) =	vpush v3, $0xE;
	v4 =	vadd.f32 v4, v7  }
0x7e: {  	[smem:s19+$0xE] =	sst s23;
	s25 =	spop (v2sf);
	(v2sf) =	vpush v3, $0xF;
	v3 =	vsel vm8, $0x3F800000, v2  }
0x7f: {  	[smem:s19+$0xF] =	sst s21;
	v6 =	vbroadcast v1, $0xA;
	vm9 =	veq.s32 v5, v0;
	s26 =	spop (v2sf);
	v3 =	vadd.f32 v4, v3  }
0x80: {  	v4 =	vsel vm9, $0x3F800000, v2;
	[smem:s20] =	sst s26  }
0x81: {  	vm10 =	veq.s32 v6, v0;
	v5 =	vbroadcast v1, $0xB;
	[smem:s20+$0x1] =	sst s25;
	v3 =	vadd.f32 v3, v4  }
0x82: {  	s28 =	spop (v2sf);
	v4 =	vsel vm10, $0x3F800000, v2;
	[smem:s20+$0x2] =	sst s24  }
0x83: {  	v6 =	vbroadcast v1, $0xC;
	vm11 =	veq.s32 v5, v0;
	s29 =	spop (v2sf);
	[smem:s20+$0x3] =	sst s28;
	v3 =	vadd.f32 v3, v4  }
0x84: {  	s30 =	spop (v2sf);
	v4 =	vsel vm11, $0x3F800000, v2;
	[smem:s20+$0x4] =	sst s29  }
0x85: {  	vm12 =	veq.s32 v6, v0;
	v5 =	vbroadcast v1, $0xD;
	s31 =	spop (v2sf);
	[smem:s20+$0x5] =	sst s30;
	v3 =	vadd.f32 v3, v4  }
0x86: {  	s22 =	spop (v2sf);
	v4 =	vsel vm12, $0x3F800000, v2;
	[smem:s20+$0x6] =	sst s31  }
0x87: {  	v6 =	vbroadcast v1, $0xE;
	vm13 =	veq.s32 v5, v0;
	s23 =	spop (v2sf);
	[smem:s20+$0x7] =	sst s22;
	v3 =	vadd.f32 v3, v4  }
0x88: {  	s24 =	spop (v2sf);
	v4 =	vsel vm13, $0x3F800000, v2;
	[smem:s20+$0x8] =	sst s23  }
0x89: {  	vm14 =	veq.s32 v6, v0;
	v1 =	vbroadcast v1, $0xF;
	s25 =	spop (v2sf);
	[smem:s20+$0x9] =	sst s24;
	v3 =	vadd.f32 v3, v4  }
0x8a: {  	s26 =	spop (v2sf);
	v4 =	vsel vm14, $0x3F800000, v2;
	[smem:s20+$0xA] =	sst s25  }
0x8b: {  	vm15 =	veq.s32 v1, v0;
	s28 =	spop (v2sf);
	[smem:s20+$0xB] =	sst s26;
	v1 =	vadd.f32 v3, v4  }
0x8c: {  	s29 =	spop (v2sf);
	v3 =	vsel vm15, $0x3F800000, v2;
	[smem:s20+$0xC] =	sst s28  }
0x8d: {  	s30 =	spop (v2sf);
	[smem:s20+$0xD] =	sst s29;
	v0 =	vadd.f32 v1, v3  }
0x8e: {  	p0 =	por $0x1, $0x1;
	s31 =	spop (v2sf);
	[smem:s20+$0xE] =	sst s30  }
0x8f: {  	s19 =	simm.s32 $0x0;
	v6 =	vimm.f32 $0.0e+00;
	v7 =	vimm.f32 $0.0e+00;
	v5 =	vimm.f32 $0.0e+00;
	[tilespmem:$0x1FFF0] =	vst v0;
	[smem:s20+$0xF] =	sst s31;
	s20 =	simm.s32 $0x0  }
.LBB2_4:
0x90: {  	s22 =	simm.s32 $0x0  }
0x91: {  	[tilespmem:$0x1FF70] =	vst v2;
	s22 =	smul.u32 $0x5000, s22  }
0x92: {  	_ =	swait.ge [sflag:s15], $0x7800  }
0x93: {  	s23 =	sand.u32 $0x380, s19;
	[sflag:s15] =	ssyncset.done $0x0;
	s22 =	sshra.s32 s22, $0x2  }
0x94: {  	[sflag:s15] =	ssyncadd.s32 $0xFFFF8800;
	s24 =	sor.u32 s23, s22  }
0x95: {  	v24 =	vld [tilespmem:s24+$0x1040]  }
0x96: {  	v25 =	vld [tilespmem:s24+$0x1050]  }
0x97: {  	v31 =	vld [tilespmem:s24+$0x1060]  }
0x98: {  	v36 =	vld [tilespmem:s24+$0x1010]  }
0x99: {  	v37 =	vld [tilespmem:s24+$0x1020]  }
0x9a: {  	v51 =	vld [tilespmem:s24+$0x1030]  }
0x9b: {  	v52 =	vld [tilespmem:s24+$0xC40]  }
0x9c: {  	v53 =	vld [tilespmem:s24+$0xC50]  }
0x9d: {  	v54 =	vld [tilespmem:s24+$0xC60]  }
0x9e: {  	v55 =	vld [tilespmem:s24+$0xC70]  }
0x9f: {  	v56 =	vld [tilespmem:s24+$0xC00]  }
0xa0: {  	v58 =	vld [tilespmem:s24+$0xC10]  }
0xa1: {  	v59 =	vld [tilespmem:s24+$0xC20]  }
0xa2: {  	v60 =	vld [tilespmem:s24+$0xC30]  }
0xa3: {  	v61 =	vld [tilespmem:s24+$0x840]  }
0xa4: {  	s20 =	sshra.s32 s20, $0x2;
	v62 =	vld [tilespmem:s24+$0x850]  }
0xa5: {  	s21 =	sld [smem:s20+$0x0];
	v43 =	vld [tilespmem:s24+$0x870]  }
0xa6: {  	v23 =	vld [tilespmem:s24+$0x800]  }
0xa7: {  	v45 =	vld [tilespmem:s24+$0x810]  }
0xa8: {  	v3 =	vld [tilespmem:s21+$0xF240]  }
0xa9: {  	v8 =	vld [tilespmem:s21+$0xF250]  }
0xaa: {  	v4 =	vld [tilespmem:s21+$0xF260]  }
0xab: {  	v17 =	vld [tilespmem:s21+$0xF270]  }
0xac: {  	v9 =	vld [tilespmem:s21+$0xF200]  }
0xad: {  	v10 =	vld [tilespmem:s21+$0xF210]  }
0xae: {  	v11 =	vld [tilespmem:s21+$0xF220]  }
0xaf: {  	v41 =	vld [tilespmem:s21+$0xF230]  }
0xb0: {  	v21 =	vld [tilespmem:s21+$0xF1C0]  }
0xb1: {  	v38 =	vld [tilespmem:s21+$0xF1D0]  }
0xb2: {  	v26 =	vld [tilespmem:s21+$0xF1E0]  }
0xb3: {  	v1 =	vld [tilespmem:s21+$0xF1F0]  }
0xb4: {  	v40 =	vld [tilespmem:s21+$0xF180]  }
0xb5: {  	v42 =	vld [tilespmem:s21+$0xF190]  }
0xb6: {  	v46 =	vld [tilespmem:s21+$0xF1A0]  }
0xb7: {  	v48 =	vld [tilespmem:s21+$0xF1B0]  }
0xb8: {  	v44 =	vld [tilespmem:s21+$0xF140]  }
0xb9: {  	v50 =	vld [tilespmem:s21+$0xF150]  }
0xba: {  	v47 =	vld [tilespmem:s21+$0xF160]  }
0xbb: {  	v0 =	vld [tilespmem:s21+$0xF170]  }
0xbc: {  	v49 =	vld [tilespmem:s21+$0xF100]  }
0xbd: {  	v63 =	vld [tilespmem:s21+$0xF110]  }
0xbe: {  	v57 =	vld [tilespmem:s21+$0xF120]  }
0xbf: {  	v2 =	vld [tilespmem:s21+$0xF130]  }
0xc0: {  	v32 =	vld [tilespmem:s21+$0xF0C0]  }
0xc1: {  	v33 =	vld [tilespmem:s21+$0xF0D0]  }
0xc2: {  	v34 =	vld [tilespmem:s21+$0xF0E0]  }
0xc3: {  	v15 =	vld [tilespmem:s21+$0xF0F0]  }
0xc4: {  	v30 =	vld [tilespmem:s21+$0xF080]  }
0xc5: {  	v29 =	vld [tilespmem:s21+$0xF090]  }
0xc6: {  	v22 =	vld [tilespmem:s21+$0xF0A0]  }
0xc7: {  	v18 =	vld [tilespmem:s21+$0xF0B0]  }
0xc8: {  	v16 =	vld [tilespmem:s21+$0xF040]  }
0xc9: {  	v14 =	vld [tilespmem:s21+$0xF050]  }
0xca: {  	v12 =	vld [tilespmem:s21+$0xF060]  }
0xcb: {  	v13 =	vld [tilespmem:s21+$0xF070]  }
0xcc: {  	v28 =	vld [tilespmem:s21+$0xF000]  }
0xcd: {  	v20 =	vld [tilespmem:s21+$0xF010]  }
0xce: {  	v27 =	vld [tilespmem:s21+$0xF020]  }
0xcf: {  	v19 =	vld [tilespmem:s21+$0xF030]  }
0xd0: {  	[tilespmem:$0x1FFC0] =	vst v32;
	v32 =	vld [tilespmem:s24+$0x1070]  }
0xd1: {  	[tilespmem:$0x1FFE0] =	vst v34;
	v34 =	vld [tilespmem:s24+$0x1000]  }
0xd2: {  	[tilespmem:$0x1FFB0] =	vst v63;
	v63 =	vld [tilespmem:s24+$0x860]  }
0xd3: {  	[tilespmem:$0x1FFD0] =	vst v33;
	v25 =	vsub.f32 v25, v8;
	v33 =	vld [tilespmem:s24+$0x830]  }
0xd4: {  	v35 =	vsub.f32 v31, v4;
	v8 =	vsub.f32 v51, v41;
	v51 =	vld [tilespmem:s24+$0x470]  }
0xd5: {  	v41 =	vsub.f32 v62, v50;
	v62 =	vld [tilespmem:$0x1FFD0]  }
0xd6: {  	[tilespmem:$0x1FF80] =	vst v35;
	v35 =	vld [tilespmem:s24+$0x820];
	v31 =	vsub.f32 v34, v9  }
0xd7: {  	v39 =	vsub.f32 v32, v17;
	v34 =	vsub.f32 v52, v21;
	v52 =	vld [tilespmem:s24+$0x440]  }
0xd8: {  	[tilespmem:$0x1FFA0] =	vst v0;
	v32 =	vsub.f32 v36, v10;
	v10 =	vsub.f32 v55, v1;
	v1 =	vld [tilespmem:s24+$0x460]  }
0xd9: {  	v21 =	vsub.f32 v59, v46;
	v59 =	vld [tilespmem:$0x1FFA0]  }
0xda: {  	v9 =	vsub.f32 v37, v11;
	v17 =	vsub.f32 v60, v48;
	v60 =	vld [tilespmem:$0x1FFB0]  }
0xdb: {  	v37 =	vsub.f32 v56, v40;
	v40 =	vsub.f32 v61, v44;
	v61 =	vld [tilespmem:$0x1FFC0]  }
0xdc: {  	v11 =	vsub.f32 v54, v26;
	v26 =	vsub.f32 v63, v47;
	v63 =	vld [tilespmem:$0x1FFE0]  }
0xdd: {  	v24 =	vsub.f32 v24, v3;
	[tilespmem:$0x1FF90] =	vst v39;
	v39 =	vld [tilespmem:s24+$0x450]  }
0xde: {  	v36 =	vsub.f32 v53, v38;
	v38 =	vsub.f32 v58, v42;
	v53 =	vld [tilespmem:s24+$0x400]  }
0xdf: {  	v54 =	vld [tilespmem:s24+$0x410];
	v42 =	vsub.f32 v23, v49;
	v33 =	vsub.f32 v33, v2  }
0xe0: {  	v55 =	vld [tilespmem:s24+$0x420];
	v35 =	vsub.f32 v35, v57;
	v23 =	vsub.f32 v43, v59  }
0xe1: {  	v56 =	vld [tilespmem:s24+$0x430];
	v45 =	vsub.f32 v45, v60;
	v49 =	vsub.f32 v52, v61  }
0xe2: {  	s22 =	smov.u32 s20;
	s23 =	simm.s32 $0x0;
	s21 =	simm.s32 $0x1;
	v58 =	vmovc v5;
	v57 =	vmov v6;
	v52 =	vld [tilespmem:s24+$0x40];
	v50 =	vsub.f32 v39, v62;
	v39 =	vsub.f32 v1, v63  }
.LBB2_5:
0xe3: {  	v1 =	vld [tilespmem:s24+$0x50]  }
0xe4: {  	v46 =	vld [tilespmem:s24+$0x0]  }
0xe5: {  	s22 =	sadd.s32 $0x1, s22;
	v60 =	vld [tilespmem:s24+$0x30]  }
0xe6: {  	v61 =	vld [tilespmem:s24+$0x70];
	s25 =	sld [smem:s22+$0x0]  }
0xe7: {  	v47 =	vsub.f32 v54, v29;
	v29 =	vmul.f32 v25, v25;
	v25 =	vld [tilespmem:s24+$0x10]  }
0xe8: {  	v48 =	vsub.f32 v55, v22;
	v22 =	vmul.f32 v31, v31;
	v31 =	vld [tilespmem:s24+$0x20]  }
0xe9: {  	v44 =	vsub.f32 v51, v15;
	v15 =	vmul.f32 v24, v24;
	v24 =	vld [tilespmem:s25+$0xF240]  }
0xea: {  	v0 =	vld [tilespmem:s25+$0xF260]  }
0xeb: {  	v43 =	vsub.f32 v53, v30;
	v30 =	vmul.f32 v32, v32;
	v32 =	vld [tilespmem:s25+$0xF210]  }
0xec: {  	v16 =	vsub.f32 v52, v16;
	v52 =	vmul.f32 v37, v37;
	v37 =	vld [tilespmem:s25+$0xF220]  }
0xed: {  	v53 =	vmul.f32 v36, v36;
	v36 =	vld [tilespmem:s25+$0xF230]  }
0xee: {  	v51 =	vmul.f32 v34, v34;
	v34 =	vld [tilespmem:s25+$0xF1C0]  }
0xef: {  	v18 =	vsub.f32 v56, v18;
	v56 =	vmul.f32 v41, v41;
	v41 =	vld [tilespmem:s25+$0xF1D0]  }
0xf0: {  	v62 =	vmul.f32 v42, v42;
	v42 =	vld [tilespmem:s25+$0xF1F0]  }
0xf1: {  	v54 =	vmul.f32 v38, v38;
	v38 =	vld [tilespmem:s25+$0xF190]  }
0xf2: {  	v55 =	vmul.f32 v40, v40;
	v40 =	vld [tilespmem:s25+$0xF1A0]  }
0xf3: {  	v1 =	vsub.f32 v1, v14;
	v14 =	vld [tilespmem:s24+$0x60]  }
0xf4: {  	v19 =	vsub.f32 v60, v19;
	v60 =	vld [tilespmem:s25+$0xF270]  }
0xf5: {  	v13 =	vsub.f32 v61, v13;
	v61 =	vld [tilespmem:$0x1FF70]  }
0xf6: {  	v28 =	vsub.f32 v46, v28;
	v46 =	vld [tilespmem:s25+$0xF100]  }
0xf7: {  	v59 =	vmul.f32 v47, v47;
	v47 =	vld [tilespmem:s25+$0xF110]  }
0xf8: {  	s31 =	sshrl.u32 s21, $0x3;
	v63 =	vmul.f32 v43, v43;
	v43 =	vld [tilespmem:s25+$0xF0E0]  }
0xf9: {  	s24 =	smul.u32 $0x5000, s31;
	v28 =	vmul.f32 v28, v28;
	v20 =	vsub.f32 v25, v20;
	v25 =	vld [tilespmem:s25+$0xF250]  }
0xfa: {  	s23 =	sadd.s32 $0x80, s23;
	v19 =	vmul.f32 v19, v19;
	v27 =	vsub.f32 v31, v27;
	v31 =	vld [tilespmem:s25+$0xF200]  }
0xfb: {  	s26 =	sand.u32 $0x380, s23;
	s24 =	sshra.s32 s24, $0x2;
	v7 =	vadd.f32 v28, v7;
	v28 =	vld [tilespmem:s25+$0xF000]  }
0xfc: {  	s24 =	sor.u32 s26, s24;
	v2 =	vadd.f32 v19, v61;
	v19 =	vld [tilespmem:s25+$0xF030]  }
0xfd: {  	v16 =	vmul.f32 v16, v16;
	[tilespmem:$0x1FF60] =	vst v60;
	v60 =	vld [tilespmem:s24+$0xC30]  }
0xfe: {  	v61 =	vld [tilespmem:s24+$0x840]  }
0xff: {  	v13 =	vmul.f32 v13, v13;
	v7 =	vadd.f32 v16, v7;
	v16 =	vld [tilespmem:s25+$0xF040]  }
0x100: {  	v12 =	vsub.f32 v14, v12;
	v14 =	vmul.f32 v27, v27;
	v27 =	vld [tilespmem:s25+$0xF020]  }
0x101: {  	v20 =	vmul.f32 v20, v20;
	v2 =	vadd.f32 v13, v2;
	v13 =	vmul.f32 v39, v39;
	v39 =	vld [tilespmem:s25+$0xF1E0]  }
0x102: {  	v5 =	vadd.f32 v14, v58;
	v14 =	vmul.f32 v35, v35;
	v35 =	vld [tilespmem:s25+$0xF140]  }
0x103: {  	v1 =	vmul.f32 v1, v1;
	v6 =	vadd.f32 v20, v57;
	v7 =	vadd.f32 v63, v7;
	v63 =	vld [tilespmem:$0x1FF90]  }
0x104: {  	v49 =	vmul.f32 v49, v49;
	v20 =	vld [tilespmem:s25+$0xF010]  }
0x105: {  	v12 =	vmul.f32 v12, v12;
	v1 =	vadd.f32 v1, v6;
	v6 =	vmul.f32 v48, v48;
	v48 =	vld [tilespmem:s25+$0xF120]  }
0x106: {  	v7 =	vadd.f32 v49, v7;
	v49 =	vld [tilespmem:s25+$0xF0C0]  }
0x107: {  	v5 =	vadd.f32 v12, v5;
	v12 =	vmul.f32 v18, v18;
	v18 =	vld [tilespmem:s25+$0xF0B0]  }
0x108: {  	v7 =	vadd.f32 v62, v7;
	v62 =	vld [tilespmem:$0x1FF80]  }
0x109: {  	v5 =	vadd.f32 v6, v5;
	v6 =	vmul.f32 v44, v44;
	v44 =	vld [tilespmem:s25+$0xF0D0]  }
0x10a: {  	v50 =	vmul.f32 v50, v50;
	v1 =	vadd.f32 v59, v1;
	v59 =	vld [tilespmem:s24+$0xC20]  }
0x10b: {  	v2 =	vadd.f32 v12, v2;
	v3 =	vmul.f32 v63, v63;
	v63 =	vld [tilespmem:s24+$0x860]  }
0x10c: {  	v12 =	vadd.f32 v50, v1;
	v1 =	vld [tilespmem:s25+$0xF180]  }
0x10d: {  	v2 =	vadd.f32 v6, v2;
	v6 =	vmul.f32 v33, v33;
	v33 =	vld [tilespmem:s25+$0xF1B0]  }
0x10e: {  	v5 =	vadd.f32 v13, v5;
	v13 =	vmul.f32 v26, v26;
	v26 =	vld [tilespmem:s25+$0xF150]  }
0x10f: {  	v50 =	vld [tilespmem:s25+$0xF130]  }
0x110: {  	v45 =	vmul.f32 v45, v45;
	v7 =	vadd.f32 v55, v7;
	v55 =	vld [tilespmem:s24+$0xC00]  }
0x111: {  	v2 =	vadd.f32 v6, v2;
	v6 =	vmul.f32 v23, v23;
	v23 =	vld [tilespmem:s25+$0xF160]  }
0x112: {  	v12 =	vadd.f32 v45, v12;
	v45 =	vld [tilespmem:s25+$0xF170]  }
0x113: {  	v5 =	vadd.f32 v14, v5;
	v14 =	vmul.f32 v21, v21;
	v21 =	vld [tilespmem:s24+$0x1030]  }
0x114: {  	v7 =	vadd.f32 v52, v7;
	v52 =	vld [tilespmem:s24+$0xC50]  }
0x115: {  	v4 =	vmul.f32 v62, v62;
	v62 =	vld [tilespmem:s24+$0x850]  }
0x116: {  	v5 =	vadd.f32 v13, v5;
	v13 =	vld [tilespmem:s25+$0xF070]  }
0x117: {  	v2 =	vadd.f32 v6, v2;
	v6 =	vmul.f32 v17, v17;
	v17 =	vld [tilespmem:s24+$0x1020]  }
0x118: {  	v7 =	vadd.f32 v51, v7;
	v51 =	vld [tilespmem:s24+$0xC40]  }
0x119: {  	v12 =	vadd.f32 v56, v12;
	v56 =	vld [tilespmem:s24+$0xC10]  }
0x11a: {  	v7 =	vadd.f32 v22, v7;
	v22 =	vld [tilespmem:s25+$0xF0A0]  }
0x11b: {  	v5 =	vadd.f32 v14, v5;
	v14 =	vld [tilespmem:s25+$0xF050]  }
0x11c: {  	v12 =	vadd.f32 v54, v12;
	v54 =	vld [tilespmem:s24+$0xC70]  }
0x11d: {  	v11 =	vmul.f32 v11, v11;
	v7 =	vadd.f32 v15, v7;
	v15 =	vld [tilespmem:s25+$0xF0F0]  }
0x11e: {  	v2 =	vadd.f32 v6, v2;
	v6 =	vmul.f32 v10, v10;
	v10 =	vadd.f32 v53, v12;
	v12 =	vld [tilespmem:s25+$0xF060]  }
0x11f: {  	v5 =	vadd.f32 v11, v5;
	v11 =	vld [tilespmem:s24+$0x1010]  }
0x120: {  	v2 =	vadd.f32 v6, v2;
	v6 =	vmul.f32 v8, v8;
	v53 =	vld [tilespmem:s24+$0xC60]  }
0x121: {  	v9 =	vmul.f32 v9, v9;
	v34 =	vsub.f32 v51, v34;
	v51 =	vld [tilespmem:s24+$0x470]  }
0x122: {  	v38 =	vsub.f32 v56, v38;
	v56 =	vld [tilespmem:s24+$0x430];
	v2 =	vadd.f32 v6, v2  }
0x123: {  	v5 =	vadd.f32 v9, v5;
	v9 =	vld [tilespmem:s24+$0x1070]  }
0x124: {  	[tilespmem:$0x1FF50] =	vst v0;
	v0 =	vadd.f32 v3, v2;
	v3 =	vld [tilespmem:s24+$0x1040]  }
0x125: {  	v58 =	vadd.f32 v4, v5;
	v4 =	vld [tilespmem:s24+$0x1050]  }
0x126: {  	v8 =	vadd.f32 v30, v10;
	v10 =	vld [tilespmem:s24+$0x1000]  }
0x127: {  	v6 =	vld [tilespmem:s24+$0x440]  }
0x128: {  	v57 =	vadd.f32 v29, v8;
	v8 =	vld [tilespmem:s24+$0x1060]  }
0x129: {  	v24 =	vsub.f32 v3, v24;
	v3 =	vld [tilespmem:$0x1FF50]  }
0x12a: {  	v25 =	vsub.f32 v4, v25;
	v4 =	vld [tilespmem:$0x1FF60]  }
0x12b: {  	v30 =	vld [tilespmem:s25+$0xF080]  }
0x12c: {  	v2 =	vld [tilespmem:s24+$0x800];
	v32 =	vsub.f32 v11, v32  }
0x12d: {  	v5 =	vld [tilespmem:s24+$0x830];
	v11 =	vsub.f32 v53, v39;
	v31 =	vsub.f32 v10, v31  }
0x12e: {  	v39 =	vld [tilespmem:s24+$0x450];
	v10 =	vsub.f32 v54, v42;
	v49 =	vsub.f32 v6, v49  }
0x12f: {  	[tilespmem:$0x1FF70] =	vst v0;
	v0 =	vld [tilespmem:s24+$0x870];
	v3 =	vsub.f32 v8, v3;
	v4 =	vsub.f32 v9, v4  }
0x130: {  	v9 =	vsub.f32 v17, v37;
	v37 =	vsub.f32 v55, v1;
	v1 =	vld [tilespmem:s24+$0x460]  }
0x131: {  	v42 =	vsub.f32 v2, v46;
	v8 =	vsub.f32 v21, v36;
	[tilespmem:$0x1FF80] =	vst v3;
	v3 =	vld [tilespmem:s24+$0x810]  }
0x132: {  	p1 =	sne.s32 s21, $0x2F;
	v36 =	vsub.f32 v52, v41;
	v21 =	vsub.f32 v59, v40;
	[tilespmem:$0x1FF90] =	vst v4;
	v4 =	vld [tilespmem:s24+$0x820]  }
.Ltmp3:
0x133: {  	v29 =	vld [tilespmem:s25+$0xF090];
	v40 =	vsub.f32 v61, v35;
	v17 =	vsub.f32 v60, v33;
	(pc) =	sbr.rel @p1 .LBB2_5-.Ltmp3, $4  }
0x134: {  	v53 =	vld [tilespmem:s24+$0x400];
	v41 =	vsub.f32 v62, v26;
	v26 =	vsub.f32 v63, v23  }
0x135: {  	v54 =	vld [tilespmem:s24+$0x410];
	v23 =	vsub.f32 v0, v45;
	v33 =	vsub.f32 v5, v50  }
0x136: {  	v55 =	vld [tilespmem:s24+$0x420];
	v50 =	vsub.f32 v39, v44;
	v39 =	vsub.f32 v1, v43  }
0x137: {  	s21 =	sadd.s32 $0x1, s21;
	v52 =	vld [tilespmem:s24+$0x40];
	v45 =	vsub.f32 v3, v47;
	v35 =	vsub.f32 v4, v48  }
0x138: {  	v0 =	vld [tilespmem:s24+$0x50]  }
0x139: {  	v2 =	vld [tilespmem:s24+$0x0]  }
0x13a: {  	v3 =	vld [tilespmem:s24+$0x10]  }
0x13b: {  	v4 =	vld [tilespmem:s24+$0x20]  }
0x13c: {  	v5 =	vld [tilespmem:s24+$0x30]  }
0x13d: {  	v1 =	vld [tilespmem:s24+$0x70];
	v51 =	vsub.f32 v51, v15  }
0x13e: {  	v53 =	vsub.f32 v53, v30;
	v29 =	vsub.f32 v54, v29  }
0x13f: {  	v6 =	vld [tilespmem:s24+$0x60];
	v54 =	vsub.f32 v55, v22;
	v2 =	vsub.f32 v2, v28  }
0x140: {  	s21 =	simm.s32 @p0 $0x0;
	v39 =	vmul.f32 v39, v39;
	v52 =	vsub.f32 v52, v16;
	v3 =	vsub.f32 v3, v20  }
0x141: {  	[tilespmem:s21], [sflag:$0x1] =	stream.linear.gather @p0 [hbm4b:s7+s21], $0x7800, $0x38;
	v4 =	vsub.f32 v4, v27;
	v5 =	vsub.f32 v5, v19;
	v2 =	vmul.f32 v2, v2;
	[tilespmem:$0x10080] =	vst v63  }
0x142: {  	v33 =	vmul.f32 v33, v33;
	_ =	swait.ge [sflag:s16], $0x7800;
	v0 =	vsub.f32 v0, v14;
	v1 =	vsub.f32 v1, v13  }
0x143: {  	v3 =	vmul.f32 v3, v3;
	v13 =	vadd.f32 v2, v7;
	v2 =	vmul.f32 v5, v5;
	v5 =	vld [tilespmem:$0x1FF70]  }
0x144: {  	v55 =	vsub.f32 v56, v18;
	v6 =	vsub.f32 v6, v12;
	v4 =	vmul.f32 v4, v4  }
0x145: {  	v19 =	vmul.f32 v52, v52;
	v0 =	vmul.f32 v0, v0;
	v3 =	vadd.f32 v3, v57  }
0x146: {  	v27 =	vmul.f32 v53, v53;
	v6 =	vmul.f32 v6, v6;
	v4 =	vadd.f32 v4, v58  }
0x147: {  	v1 =	vmul.f32 v1, v1;
	v19 =	vadd.f32 v19, v13;
	v0 =	vadd.f32 v0, v3  }
0x148: {  	v3 =	vadd.f32 v6, v4;
	v4 =	vmul.f32 v29, v29;
	v20 =	vadd.f32 v2, v5  }
0x149: {  	[sflag:s16] =	ssyncset.done $0x0;
	v28 =	vmul.f32 v54, v54;
	v29 =	vmul.f32 v55, v55;
	v27 =	vadd.f32 v27, v19  }
0x14a: {  	s20 =	sadd.s32 $0x30, s20;
	[sflag:s16] =	ssyncadd.s32 $0xFFFF8800;
	v0 =	vadd.f32 v4, v0;
	v4 =	vmul.f32 v49, v49;
	v1 =	vadd.f32 v1, v20  }
0x14b: {  	v26 =	vmul.f32 v26, v26;
	s22 =	sld [smem:s20+$0x0];
	v3 =	vadd.f32 v28, v3;
	v28 =	vmul.f32 v50, v50  }
0x14c: {  	v4 =	vadd.f32 v4, v27;
	v27 =	vmul.f32 v51, v51;
	v1 =	vadd.f32 v29, v1  }
0x14d: {  	v23 =	vmul.f32 v23, v23;
	v3 =	vadd.f32 v39, v3;
	v29 =	vmul.f32 v35, v35  }
0x14e: {  	v2 =	vld [tilespmem:s22+$0xF070];
	v0 =	vadd.f32 v28, v0;
	v1 =	vadd.f32 v27, v1;
	v27 =	vmul.f32 v45, v45  }
0x14f: {  	v21 =	vmul.f32 v21, v21;
	v17 =	vmul.f32 v17, v17;
	v3 =	vadd.f32 v29, v3  }
0x150: {  	v0 =	vadd.f32 v27, v0;
	v27 =	vmul.f32 v41, v41;
	v1 =	vadd.f32 v33, v1  }
0x151: {  	v11 =	vmul.f32 v11, v11;
	v28 =	vmul.f32 v42, v42;
	v3 =	vadd.f32 v26, v3  }
0x152: {  	s30 =	simm.s32 $0x0;
	v26 =	vmul.f32 v38, v38;
	v0 =	vadd.f32 v27, v0;
	v1 =	vadd.f32 v23, v1  }
0x153: {  	s23 =	smul.u32 $0x5000, s30;
	v4 =	vadd.f32 v28, v4;
	v28 =	vmul.f32 v40, v40;
	[tilespmem:$0x1FE30] =	vst v2;
	v2 =	vld [tilespmem:$0x1FF80];
	v3 =	vadd.f32 v21, v3  }
0x154: {  	s21 =	simm.s32 $0x0;
	v0 =	vadd.f32 v26, v0;
	v1 =	vadd.f32 v17, v1;
	v17 =	vmul.f32 v36, v36  }
0x155: {  	s31 =	sand.u32 $0x380, s21;
	s23 =	sshra.s32 s23, $0x2;
	v47 =	vld [tilespmem:s22+$0xF260];
	v4 =	vadd.f32 v28, v4;
	v27 =	vmul.f32 v37, v37  }
0x156: {  	s23 =	sor.u32 s31, s23;
	v60 =	vld [tilespmem:s22+$0xF1D0];
	v3 =	vadd.f32 v11, v3;
	v11 =	vmul.f32 v32, v32;
	v0 =	vadd.f32 v17, v0  }
0x157: {  	v39 =	vld [tilespmem:s23+$0x8860];
	v21 =	vmul.f32 v34, v34;
	v4 =	vadd.f32 v27, v4  }
0x158: {  	v0 =	vadd.f32 v11, v0;
	v11 =	vmul.f32 v2, v2;
	v2 =	vld [tilespmem:$0x1FF90]  }
0x159: {  	v10 =	vmul.f32 v10, v10;
	v48 =	vld [tilespmem:s22+$0xF230];
	v4 =	vadd.f32 v21, v4;
	v21 =	vmul.f32 v31, v31;
	_ =	sdelay $0x1  }
0x15a: {  	v1 =	vadd.f32 v10, v1;
	v10 =	vmul.f32 v24, v24;
	v4 =	vadd.f32 v21, v4  }
0x15b: {  	v53 =	vld [tilespmem:s23+$0x7C00]  }
0x15c: {  	[tilespmem:$0x1FE60] =	vst v60;
	v60 =	vld [tilespmem:s22+$0xF1E0];
	v10 =	vadd.f32 v10, v4;
	v4 =	vmul.f32 v2, v2;
	v2 =	vsub.f32 v39, v47  }
0x15d: {  	[tilespmem:$0x1FE50] =	vst v48;
	v37 =	vld [tilespmem:s23+$0x8830]  }
0x15e: {  	[tilespmem:$0x1FE40] =	vst v2;
	v2 =	vld [tilespmem:$0x1FE50]  }
0x15f: {  	v54 =	vld [tilespmem:s23+$0x7C10]  }
0x160: {  	v52 =	vld [tilespmem:s23+$0x8050]  }
0x161: {  	v8 =	vmul.f32 v8, v8;
	[tilespmem:$0x1FE70] =	vst v60;
	v60 =	vld [tilespmem:s22+$0xF1F0]  }
0x162: {  	v23 =	vld [tilespmem:s23+$0x8450]  }
0x163: {  	v1 =	vadd.f32 v8, v1;
	v8 =	vsub.f32 v37, v2;
	v2 =	vld [tilespmem:$0x1FE60]  }
0x164: {  	v43 =	vld [tilespmem:s22+$0xF240]  }
0x165: {  	v46 =	vld [tilespmem:s22+$0xF250]  }
0x166: {  	[tilespmem:$0x1FE80] =	vst v60;
	v60 =	vld [tilespmem:s22+$0xF190]  }
0x167: {  	v26 =	vld [tilespmem:s23+$0x8460]  }
0x168: {  	v36 =	vsub.f32 v23, v2;
	v2 =	vld [tilespmem:$0x1FE70]  }
0x169: {  	v62 =	vld [tilespmem:s22+$0xF270]  }
0x16a: {  	v44 =	vld [tilespmem:s22+$0xF200]  }
0x16b: {  	v27 =	vld [tilespmem:s23+$0x8470]  }
0x16c: {  	[tilespmem:$0x1FE90] =	vst v60;
	v60 =	vld [tilespmem:s22+$0xF1A0]  }
0x16d: {  	v24 =	vsub.f32 v26, v2;
	v2 =	vld [tilespmem:$0x1FE80]  }
0x16e: {  	v63 =	vld [tilespmem:s22+$0xF210]  }
0x16f: {  	v59 =	vld [tilespmem:s22+$0xF220]  }
0x170: {  	v38 =	vld [tilespmem:s23+$0x8410]  }
0x171: {  	[tilespmem:$0x1FEA0] =	vst v60;
	v60 =	vld [tilespmem:s22+$0xF1B0]  }
0x172: {  	v23 =	vsub.f32 v27, v2;
	v2 =	vld [tilespmem:$0x1FE90]  }
0x173: {  	v61 =	vld [tilespmem:s22+$0xF180]  }
0x174: {  	v30 =	vld [tilespmem:s22+$0xF0E0]  }
0x175: {  	v42 =	vld [tilespmem:s23+$0x8420]  }
0x176: {  	[tilespmem:$0x1FEC0] =	vst v60;
	v60 =	vld [tilespmem:s22+$0xF140]  }
0x177: {  	v38 =	vsub.f32 v38, v2;
	v2 =	vld [tilespmem:$0x1FEA0]  }
0x178: {  	v9 =	vmul.f32 v9, v9;
	v15 =	vld [tilespmem:s22+$0xF0F0]  }
0x179: {  	v22 =	vld [tilespmem:s22+$0xF080]  }
0x17a: {  	v3 =	vadd.f32 v9, v3;
	v9 =	vmul.f32 v25, v25;
	v25 =	vld [tilespmem:s23+$0x8040]  }
0x17b: {  	[tilespmem:$0x1FEB0] =	vst v60;
	v60 =	vld [tilespmem:s22+$0xF150]  }
0x17c: {  	v26 =	vsub.f32 v42, v2;
	v2 =	vld [tilespmem:$0x1FEB0]  }
0x17d: {  	v18 =	vld [tilespmem:s22+$0xF090]  }
0x17e: {  	v16 =	vld [tilespmem:s22+$0xF0A0]  }
0x17f: {  	v45 =	vld [tilespmem:s23+$0x8430]  }
0x180: {  	[tilespmem:$0x1FED0] =	vst v60;
	v60 =	vld [tilespmem:s22+$0xF160]  }
0x181: {  	v39 =	vsub.f32 v25, v2;
	v2 =	vld [tilespmem:$0x1FEC0]  }
0x182: {  	v14 =	vld [tilespmem:s22+$0xF0B0]  }
0x183: {  	v12 =	vld [tilespmem:s22+$0xF040]  }
0x184: {  	v40 =	vld [tilespmem:s23+$0x8800]  }
0x185: {  	[tilespmem:$0x1FEE0] =	vst v60;
	v60 =	vld [tilespmem:s22+$0xF170]  }
0x186: {  	v25 =	vsub.f32 v45, v2;
	v2 =	vld [tilespmem:$0x1FED0]  }
0x187: {  	v49 =	vld [tilespmem:s23+$0x8840]  }
0x188: {  	v28 =	vld [tilespmem:s23+$0x8820]  }
0x189: {  	v21 =	vadd.f32 v9, v0;
	v0 =	vld [tilespmem:s23+$0x8060]  }
0x18a: {  	[tilespmem:$0x1FF00] =	vst v60;
	v60 =	vld [tilespmem:s22+$0xF100]  }
0x18b: {  	v31 =	vsub.f32 v40, v44;
	v40 =	vsub.f32 v52, v2;
	v2 =	vld [tilespmem:$0x1FEE0]  }
0x18c: {  	v56 =	vld [tilespmem:s22+$0xF050]  }
0x18d: {  	v29 =	vsub.f32 v49, v43;
	v43 =	vld [tilespmem:s23+$0x8000]  }
0x18e: {  	v41 =	vld [tilespmem:s23+$0x8810]  }
0x18f: {  	[tilespmem:$0x1FEF0] =	vst v60;
	v60 =	vld [tilespmem:s22+$0xF110]  }
0x190: {  	v9 =	vsub.f32 v28, v59;
	v28 =	vsub.f32 v0, v2;
	v0 =	vld [tilespmem:$0x1FEF0]  }
0x191: {  	v58 =	vld [tilespmem:s22+$0xF060]  }
0x192: {  	v50 =	vld [tilespmem:s23+$0x8850]  }
0x193: {  	v17 =	vadd.f32 v4, v1;
	v1 =	vld [tilespmem:s23+$0x8070]  }
0x194: {  	[tilespmem:$0x1FF10] =	vst v60;
	v60 =	vld [tilespmem:s22+$0xF120]  }
0x195: {  	v32 =	vsub.f32 v41, v63;
	v41 =	vsub.f32 v43, v0;
	v0 =	vld [tilespmem:$0x1FF00]  }
0x196: {  	v57 =	vld [tilespmem:s23+$0x8440]  }
0x197: {  	v35 =	vld [tilespmem:s23+$0x8870]  }
0x198: {  	v50 =	vsub.f32 v50, v46;
	v46 =	vld [tilespmem:s23+$0x8010]  }
0x199: {  	[tilespmem:$0x1FF20] =	vst v60;
	v60 =	vld [tilespmem:s22+$0xF130]  }
0x19a: {  	v27 =	vsub.f32 v1, v0;
	v0 =	vld [tilespmem:$0x1FF10]  }
0x19b: {  	v13 =	vld [tilespmem:s22+$0xF000]  }
0x19c: {  	v48 =	vld [tilespmem:s22+$0xF1C0]  }
0x19d: {  	v62 =	vsub.f32 v35, v62;
	v35 =	vld [tilespmem:s23+$0x8020]  }
0x19e: {  	[tilespmem:$0x1FF40] =	vst v60;
	v60 =	vld [tilespmem:s22+$0xF0C0]  }
0x19f: {  	v42 =	vsub.f32 v46, v0;
	v0 =	vld [tilespmem:$0x1FF20]  }
0x1a0: {  	v6 =	vld [tilespmem:s22+$0xF010]  }
0x1a1: {  	v19 =	vld [tilespmem:s22+$0xF020]  }
0x1a2: {  	v33 =	vsub.f32 v57, v48;
	v57 =	vld [tilespmem:s23+$0x7C40]  }
0x1a3: {  	v34 =	vld [tilespmem:s23+$0x8400];
	[tilespmem:$0x1FF30] =	vst v60  }
0x1a4: {  	v37 =	vsub.f32 v35, v0;
	v0 =	vld [tilespmem:$0x1FF30]  }
0x1a5: {  	v63 =	vld [tilespmem:s23+$0x7C60]  }
0x1a6: {  	v44 =	vld [tilespmem:s23+$0x8030]  }
0x1a7: {  	v59 =	vld [tilespmem:s23+$0x7C50]  }
0x1a8: {  	v60 =	vld [tilespmem:s22+$0xF0D0]  }
0x1a9: {  	v43 =	vsub.f32 v57, v0;
	v0 =	vld [tilespmem:$0x1FF40]  }
0x1aa: {  	v51 =	vld [tilespmem:s23+$0x7C70]  }
0x1ab: {  	v20 =	vld [tilespmem:s22+$0xF030]  }
0x1ac: {  	v34 =	vsub.f32 v34, v61;
	v45 =	vld [tilespmem:s23+$0x7840]  }
0x1ad: {  	v11 =	vadd.f32 v11, v3;
	v52 =	vld [tilespmem:s23+$0x7C20];
	v1 =	vsub.f32 v63, v30  }
0x1ae: {  	[tilespmem:$0x1FE20] =	vst v12;
	s22 =	simm.s32 $0x1;
	v46 =	vld [tilespmem:s23+$0x7C30];
	v35 =	vsub.f32 v44, v0;
	v44 =	vsub.f32 v59, v60  }
.LBB2_7:
0x1af: {  	v0 =	vld [tilespmem:s23+$0x7850]  }
0x1b0: {  	v30 =	vld [tilespmem:s23+$0x7800]  }
0x1b1: {  	v63 =	vld [tilespmem:s23+$0x7810]  }
0x1b2: {  	v2 =	vld [tilespmem:$0x1FE20]  }
0x1b3: {  	v7 =	vld [tilespmem:s23+$0x7860]  }
0x1b4: {  	s20 =	sadd.s32 $0x1, s20;
	v3 =	vld [tilespmem:$0x1FE40]  }
0x1b5: {  	s24 =	sld [smem:s20+$0x0];
	v48 =	vsub.f32 v51, v15;
	v51 =	vsub.f32 v52, v16;
	v16 =	vmul.f32 v31, v31;
	v31 =	vld [tilespmem:s23+$0x7820]  }
0x1b6: {  	v52 =	vmul.f32 v36, v36;
	v36 =	vld [tilespmem:s23+$0x7830]  }
0x1b7: {  	v47 =	vsub.f32 v53, v22;
	v53 =	vmul.f32 v38, v38;
	v38 =	vld [tilespmem:s23+$0x7870]  }
0x1b8: {  	v15 =	vmul.f32 v29, v29;
	v29 =	vld [tilespmem:s24+$0xF240]  }
0x1b9: {  	v49 =	vsub.f32 v54, v18;
	v18 =	vmul.f32 v50, v50;
	v50 =	vld [tilespmem:s24+$0xF250]  }
0x1ba: {  	v22 =	vmul.f32 v32, v32;
	v32 =	vld [tilespmem:s24+$0xF210]  }
0x1bb: {  	v14 =	vsub.f32 v46, v14;
	v46 =	vmul.f32 v33, v33;
	v33 =	vld [tilespmem:s24+$0xF1C0]  }
0x1bc: {  	v60 =	vmul.f32 v41, v41;
	v41 =	vld [tilespmem:s24+$0xF1E0]  }
0x1bd: {  	v57 =	vmul.f32 v42, v42;
	v42 =	vld [tilespmem:s24+$0xF1F0]  }
0x1be: {  	v55 =	vmul.f32 v40, v40;
	v40 =	vld [tilespmem:s24+$0xF1A0]  }
0x1bf: {  	s31 =	sshrl.u32 s22, $0x3;
	v54 =	vmul.f32 v39, v39;
	v39 =	vld [tilespmem:s24+$0xF060]  }
0x1c0: {  	s23 =	smul.u32 $0x5000, s31;
	v12 =	vsub.f32 v45, v2;
	v2 =	vld [tilespmem:s24+$0xF260]  }
0x1c1: {  	s21 =	sadd.s32 $0x80, s21;
	v45 =	vmul.f32 v34, v34;
	v34 =	vld [tilespmem:s24+$0xF230]  }
0x1c2: {  	s25 =	sand.u32 $0x380, s21;
	v0 =	vsub.f32 v0, v56;
	v56 =	vld [tilespmem:s24+$0xF050];
	s23 =	sshra.s32 s23, $0x2  }
0x1c3: {  	v6 =	vsub.f32 v63, v6;
	v63 =	vmul.f32 v49, v49;
	v49 =	vld [tilespmem:s24+$0xF130];
	s23 =	sor.u32 s25, s23  }
0x1c4: {  	v5 =	vsub.f32 v7, v58;
	v58 =	vld [tilespmem:s23+$0x8410]  }
0x1c5: {  	v59 =	vld [tilespmem:s23+$0x8420]  }
0x1c6: {  	v13 =	vsub.f32 v30, v13;
	v30 =	vld [tilespmem:s23+$0x8070]  }
0x1c7: {  	v6 =	vmul.f32 v6, v6;
	v19 =	vsub.f32 v31, v19;
	v31 =	vld [tilespmem:s24+$0xF200]  }
0x1c8: {  	v13 =	vmul.f32 v13, v13;
	v20 =	vsub.f32 v36, v20;
	v36 =	vld [tilespmem:s24+$0xF220]  }
0x1c9: {  	v6 =	vadd.f32 v6, v21;
	v21 =	vld [tilespmem:s24+$0xF0C0]  }
0x1ca: {  	v12 =	vmul.f32 v12, v12;
	v10 =	vadd.f32 v13, v10;
	v13 =	vld [tilespmem:s24+$0xF000]  }
0x1cb: {  	[tilespmem:$0x1FE00] =	vst v2;
	v2 =	vld [tilespmem:s24+$0xF270]  }
0x1cc: {  	v0 =	vmul.f32 v0, v0;
	v10 =	vadd.f32 v12, v10;
	v12 =	vld [tilespmem:s24+$0xF1D0]  }
0x1cd: {  	v7 =	vmul.f32 v19, v19;
	v19 =	vmul.f32 v20, v20;
	v20 =	vld [tilespmem:s24+$0xF030]  }
0x1ce: {  	v61 =	vmul.f32 v47, v47;
	v0 =	vadd.f32 v0, v6;
	v6 =	vmul.f32 v51, v51;
	v51 =	vld [tilespmem:s23+$0x8440]  }
0x1cf: {  	v7 =	vadd.f32 v7, v11;
	v11 =	vadd.f32 v19, v17;
	v19 =	vld [tilespmem:s24+$0xF020]  }
0x1d0: {  	v10 =	vadd.f32 v61, v10;
	v61 =	vld [tilespmem:s23+$0x8040]  }
0x1d1: {  	v44 =	vmul.f32 v44, v44;
	v0 =	vadd.f32 v63, v0;
	v63 =	vld [tilespmem:s23+$0x8060]  }
0x1d2: {  	v5 =	vmul.f32 v5, v5;
	[tilespmem:$0x1FE10] =	vst v2;
	v2 =	vld [tilespmem:$0x1FE30]  }
0x1d3: {  	v0 =	vadd.f32 v44, v0;
	v44 =	vld [tilespmem:s24+$0xF160]  }
0x1d4: {  	v5 =	vadd.f32 v5, v7;
	v7 =	vmul.f32 v14, v14;
	v14 =	vld [tilespmem:s23+$0x8050]  }
0x1d5: {  	v33 =	vsub.f32 v51, v33;
	v51 =	vld [tilespmem:s23+$0x7C70];
	v0 =	vadd.f32 v57, v0  }
0x1d6: {  	v5 =	vadd.f32 v6, v5;
	v6 =	vmul.f32 v48, v48;
	v48 =	vld [tilespmem:s24+$0xF120]  }
0x1d7: {  	v57 =	vld [tilespmem:s23+$0x8400];
	v0 =	vadd.f32 v55, v0  }
0x1d8: {  	v55 =	vld [tilespmem:s24+$0xF0D0];
	v2 =	vsub.f32 v38, v2  }
0x1d9: {  	v38 =	vld [tilespmem:s24+$0xF190];
	v0 =	vadd.f32 v53, v0  }
0x1da: {  	v53 =	vld [tilespmem:s23+$0x8460];
	v2 =	vmul.f32 v2, v2  }
0x1db: {  	v0 =	vadd.f32 v52, v0;
	v52 =	vld [tilespmem:s23+$0x8450]  }
0x1dc: {  	v2 =	vadd.f32 v2, v11;
	v11 =	vmul.f32 v1, v1;
	v1 =	vld [tilespmem:s24+$0xF180]  }
0x1dd: {  	v43 =	vmul.f32 v43, v43;
	v0 =	vadd.f32 v22, v0;
	v22 =	vld [tilespmem:s24+$0xF080]  }
0x1de: {  	v2 =	vadd.f32 v7, v2;
	v5 =	vadd.f32 v11, v5;
	v11 =	vmul.f32 v28, v28;
	v28 =	vld [tilespmem:s24+$0xF1B0]  }
0x1df: {  	v7 =	vadd.f32 v43, v10;
	v43 =	vld [tilespmem:s24+$0xF150]  }
0x1e0: {  	v10 =	vmul.f32 v37, v37;
	v37 =	vld [tilespmem:s24+$0xF110];
	v2 =	vadd.f32 v6, v2;
	v6 =	vmul.f32 v35, v35  }
0x1e1: {  	v35 =	vadd.f32 v18, v0;
	v0 =	vld [tilespmem:s24+$0xF0E0]  }
0x1e2: {  	v18 =	vld [tilespmem:s24+$0xF090];
	v2 =	vadd.f32 v6, v2;
	v6 =	vmul.f32 v27, v27  }
0x1e3: {  	v7 =	vadd.f32 v60, v7;
	v5 =	vadd.f32 v10, v5;
	v10 =	vmul.f32 v26, v26;
	v26 =	vld [tilespmem:s23+$0x8830]  }
0x1e4: {  	v60 =	vld [tilespmem:s23+$0x8430];
	v2 =	vadd.f32 v6, v2;
	v6 =	vmul.f32 v25, v25  }
0x1e5: {  	v7 =	vadd.f32 v54, v7;
	v27 =	vld [tilespmem:s24+$0xF140];
	v5 =	vadd.f32 v11, v5  }
0x1e6: {  	v11 =	vmul.f32 v24, v24;
	v24 =	vld [tilespmem:s23+$0x8810];
	v2 =	vadd.f32 v6, v2;
	v6 =	vmul.f32 v23, v23  }
0x1e7: {  	v54 =	vld [tilespmem:s23+$0x8470]  }
0x1e8: {  	v7 =	vadd.f32 v45, v7;
	v45 =	vld [tilespmem:s24+$0xF170];
	v2 =	vadd.f32 v6, v2;
	v6 =	vmul.f32 v8, v8  }
0x1e9: {  	v5 =	vadd.f32 v10, v5;
	v10 =	vld [tilespmem:s24+$0xF0A0]  }
0x1ea: {  	v4 =	vmul.f32 v3, v3;
	v3 =	vmul.f32 v62, v62;
	v25 =	vld [tilespmem:s23+$0x8820];
	v2 =	vadd.f32 v6, v2  }
0x1eb: {  	v7 =	vadd.f32 v46, v7;
	v46 =	vld [tilespmem:s24+$0xF100]  }
0x1ec: {  	v17 =	vadd.f32 v3, v2;
	v3 =	vld [tilespmem:s23+$0x8840]  }
0x1ed: {  	v23 =	vld [tilespmem:s23+$0x8800]  }
0x1ee: {  	v32 =	vsub.f32 v24, v32;
	v24 =	vsub.f32 v53, v41;
	v53 =	vld [tilespmem:s23+$0x7C00]  }
0x1ef: {  	v8 =	vld [tilespmem:s23+$0x8860]  }
0x1f0: {  	v2 =	vld [tilespmem:s24+$0xF040]  }
0x1f1: {  	v9 =	vmul.f32 v9, v9;
	v5 =	vadd.f32 v11, v5;
	v29 =	vsub.f32 v3, v29;
	v3 =	vld [tilespmem:$0x1FE00]  }
0x1f2: {  	v7 =	vadd.f32 v16, v7;
	v16 =	vld [tilespmem:s24+$0xF0B0]  }
0x1f3: {  	v38 =	vsub.f32 v58, v38;
	v5 =	vadd.f32 v9, v5;
	v9 =	vld [tilespmem:s23+$0x8870]  }
0x1f4: {  	v58 =	vmov v39;
	v39 =	vsub.f32 v61, v27;
	v27 =	vsub.f32 v30, v45;
	v45 =	vld [tilespmem:s23+$0x7840]  }
0x1f5: {  	v47 =	vadd.f32 v4, v5;
	v4 =	vld [tilespmem:s23+$0x8850]  }
0x1f6: {  	[tilespmem:$0x1FE20] =	vst v2;
	v2 =	vld [tilespmem:s24+$0xF070];
	v3 =	vsub.f32 v8, v3  }
0x1f7: {  	v5 =	vld [tilespmem:s23+$0x8010]  }
0x1f8: {  	[tilespmem:$0x1FE40] =	vst v3;
	v3 =	vld [tilespmem:$0x1FE10]  }
0x1f9: {  	v11 =	vadd.f32 v15, v7;
	v7 =	vld [tilespmem:s23+$0x7C40]  }
0x1fa: {  	v50 =	vsub.f32 v4, v50;
	v4 =	vld [tilespmem:s23+$0x8030]  }
0x1fb: {  	v31 =	vsub.f32 v23, v31;
	v23 =	vsub.f32 v54, v42;
	[tilespmem:$0x1FE30] =	vst v2;
	v2 =	vld [tilespmem:s23+$0x8000]  }
0x1fc: {  	v8 =	vsub.f32 v26, v34;
	v34 =	vsub.f32 v57, v1;
	v1 =	vld [tilespmem:s23+$0x7C60]  }
0x1fd: {  	v42 =	vsub.f32 v5, v37;
	v62 =	vsub.f32 v9, v3;
	v3 =	vld [tilespmem:s23+$0x8020]  }
0x1fe: {  	p1 =	sne.s32 s22, $0x2F;
	v9 =	vsub.f32 v25, v36;
	v36 =	vsub.f32 v52, v12;
	v12 =	vld [tilespmem:s23+$0x7C50]  }
.Ltmp4:
0x1ff: {  	v15 =	vld [tilespmem:s24+$0xF0F0];
	v26 =	vsub.f32 v59, v40;
	v40 =	vsub.f32 v14, v43;
	(pc) =	sbr.rel @p1 .LBB2_7-.Ltmp4, $4  }
0x200: {  	v6 =	vld [tilespmem:s24+$0xF010];
	v43 =	vsub.f32 v7, v21;
	v21 =	vmov v35;
	v35 =	vsub.f32 v4, v49  }
0x201: {  	v54 =	vld [tilespmem:s23+$0x7C10];
	v41 =	vsub.f32 v2, v46;
	v1 =	vsub.f32 v1, v0  }
0x202: {  	v14 =	vmov v16;
	v46 =	vld [tilespmem:s23+$0x7C30];
	v25 =	vsub.f32 v60, v28;
	v28 =	vsub.f32 v63, v44  }
0x203: {  	s22 =	sadd.s32 $0x1, s22;
	v16 =	vmovc v10;
	v10 =	vmovc v11;
	v11 =	vmov v47;
	v52 =	vld [tilespmem:s23+$0x7C20];
	v37 =	vsub.f32 v3, v48;
	v44 =	vsub.f32 v12, v55  }
0x204: {  	v0 =	vld [tilespmem:s23+$0x7850]  }
0x205: {  	v4 =	vld [tilespmem:s23+$0x7800]  }
0x206: {  	v63 =	vld [tilespmem:s23+$0x7810]  }
0x207: {  	v3 =	vsub.f32 v51, v15;
	v51 =	vld [tilespmem:$0x1FE20]  }
0x208: {  	v12 =	vmul.f32 v50, v50;
	v48 =	vld [tilespmem:s23+$0x7820];
	v30 =	vmul.f32 v33, v33  }
0x209: {  	v49 =	vmul.f32 v36, v36;
	v50 =	vld [tilespmem:s23+$0x7830];
	v34 =	vmul.f32 v34, v34  }
0x20a: {  	v2 =	vsub.f32 v53, v22;
	v53 =	vld [tilespmem:s23+$0x7860];
	v39 =	vmul.f32 v39, v39;
	v40 =	vmul.f32 v40, v40  }
0x20b: {  	v41 =	vmul.f32 v41, v41;
	v59 =	vld [tilespmem:$0x1FE30];
	v5 =	vsub.f32 v54, v18;
	v14 =	vsub.f32 v46, v14  }
0x20c: {  	v55 =	vmul.f32 v43, v43;
	v54 =	vld [tilespmem:s23+$0x7870];
	v16 =	vsub.f32 v52, v16;
	v33 =	vsub.f32 v45, v51  }
0x20d: {  	v2 =	vmul.f32 v2, v2;
	v0 =	vsub.f32 v0, v56;
	v4 =	vsub.f32 v4, v13  }
0x20e: {  	v6 =	vsub.f32 v63, v6;
	v19 =	vsub.f32 v48, v19;
	v57 =	vmul.f32 v33, v33  }
0x20f: {  	v20 =	vsub.f32 v50, v20;
	v0 =	vmul.f32 v0, v0;
	v4 =	vmul.f32 v4, v4  }
0x210: {  	v58 =	vsub.f32 v53, v58;
	v6 =	vmul.f32 v6, v6;
	v19 =	vmul.f32 v19, v19  }
0x211: {  	v20 =	vmul.f32 v20, v20;
	v13 =	vsub.f32 v54, v59;
	v4 =	vadd.f32 v4, v10  }
0x212: {  	v60 =	vmul.f32 v58, v58;
	v6 =	vadd.f32 v6, v21;
	v11 =	vadd.f32 v19, v11  }
0x213: {  	v17 =	vadd.f32 v20, v17;
	v13 =	vmul.f32 v13, v13;
	v4 =	vadd.f32 v57, v4  }
0x214: {  	v0 =	vadd.f32 v0, v6;
	v6 =	vmul.f32 v16, v16;
	v10 =	vadd.f32 v60, v11  }
0x215: {  	v1 =	vmul.f32 v1, v1;
	v5 =	vmul.f32 v5, v5;
	v61 =	vadd.f32 v13, v17  }
0x216: {  	v63 =	vmul.f32 v14, v14;
	v2 =	vadd.f32 v2, v4;
	v4 =	vadd.f32 v6, v10  }
0x217: {  	v3 =	vmul.f32 v3, v3;
	v56 =	vmul.f32 v44, v44;
	v0 =	vadd.f32 v5, v0  }
0x218: {  	v5 =	vadd.f32 v63, v61;
	v6 =	vmul.f32 v37, v37;
	v1 =	vadd.f32 v1, v4  }
0x219: {  	v42 =	vmul.f32 v42, v42;
	v2 =	vadd.f32 v55, v2;
	v0 =	vadd.f32 v56, v0  }
0x21a: {  	v3 =	vadd.f32 v3, v5;
	v5 =	vmul.f32 v28, v28;
	v1 =	vadd.f32 v6, v1  }
0x21b: {  	v52 =	vmul.f32 v38, v38;
	v4 =	vmul.f32 v35, v35;
	v2 =	vadd.f32 v41, v2  }
0x21c: {  	v0 =	vadd.f32 v42, v0;
	v6 =	vmul.f32 v26, v26;
	v1 =	vadd.f32 v5, v1  }
0x21d: {  	v3 =	vadd.f32 v4, v3;
	v4 =	vmul.f32 v27, v27;
	v2 =	vadd.f32 v39, v2  }
0x21e: {  	v0 =	vadd.f32 v40, v0;
	v5 =	vmul.f32 v24, v24;
	v1 =	vadd.f32 v6, v1  }
0x21f: {  	v3 =	vadd.f32 v4, v3;
	v4 =	vmul.f32 v25, v25;
	v2 =	vadd.f32 v34, v2  }
0x220: {  	v18 =	vmul.f32 v31, v31;
	v0 =	vadd.f32 v52, v0;
	v1 =	vadd.f32 v5, v1;
	v5 =	vld [tilespmem:$0x1FE40]  }
0x221: {  	v3 =	vadd.f32 v4, v3;
	v4 =	vmul.f32 v23, v23;
	v2 =	vadd.f32 v30, v2  }
0x222: {  	v47 =	vmul.f32 v32, v32;
	v6 =	vmul.f32 v9, v9;
	v0 =	vadd.f32 v49, v0  }
0x223: {  	v3 =	vadd.f32 v4, v3;
	v4 =	vmul.f32 v8, v8;
	v2 =	vadd.f32 v18, v2  }
.Ltmp5:
0x224: {  	v7 =	vmul.f32 v29, v29;
	v0 =	vadd.f32 v47, v0;
	v1 =	vadd.f32 v6, v1;
	(pc) =	sbr.rel @!p0 .LBB2_10-.Ltmp5, $3  }
0x225: {  	v3 =	vadd.f32 v4, v3;
	v4 =	vmul.f32 v62, v62;
	v5 =	vmul.f32 v5, v5  }
0x226: {  	v7 =	vadd.f32 v7, v2;
	v6 =	vadd.f32 v12, v0  }
0x227: {  	v2 =	vadd.f32 v4, v3;
	v5 =	vadd.f32 v5, v1;
	_ =	sdelay $0x1  }
.Ltmp6:
0x228: {  	(pc) =	sbr.rel .LBB2_4-.Ltmp6, $3  }
0x229: {  	_ =	sdelay $0x1  }
0x22a: {  	[tilespmem:s14], [sflag:$0x2] =	stream.linear.gather [hbm4b:s8+s2], $0x7800, $0x38;
	[tilespmem:$0x10080] =	vst v63  }
0x22b: {  	s20 =	simm.s32 $0x180;
	p0 =	por $0x0, $0x0  }
.LBB2_11:
0x22c: {  	_ =	sfence.sel $0x180000  }
0x22d: {  	[bflag:$0x0] =	sbarrier.arrive $0xFFFF  }
0x22e: {  	p0 =	sne.s32 s0, $0x0;
	_ =	strace $0x90000047  }
0x22f: {  	s0 =	sadd.s32 @!p0 $0x100000, s1;
	[bflag:$0x2] =	sbarrier.arrive $0xFFFF  }
0x230: {  	[sflag:s0] =	ssyncadd.tile.s32 @!p0 $0x1;
	_ =	shalt  }
.Lfunc_end2:
_tile_overlayer_lowered:
.L_overlay_start_2:
0x231: {  	(tag) =	ssettag $0x2  }
0x232: {  	s0 =	rddreg [dreg:$0x0];
	s2 =	stileid.u32  }
0x233: {  	s1 =	rddreg [dreg:$0x1];
	p0 =	sne.s32 s2, $0x0  }
0x234: {  	s3 =	rddreg [dreg:$0x2];
	[bflag:$0x3] =	sbarrier.arrive $0xFFFF;
	s2 =	simm.s32 @!p0 $0x1C03  }
0x235: {  	[timem:s3], [sflag:s2] =	dma.local @!p0 [hbm:s0], s1  }
0x236: {  	s0 =	simm.s32 @!p0 $0x3  }
0x237: {  	_ =	swait.ge @!p0 [sflag:s0], s1  }
0x238: {  	s1 =	ssub.s32 @!p0 $0x0, s1;
	[sflag:s0] =	ssyncset.done @!p0 $0x0  }
0x239: {  	[sflag:s0] =	ssyncadd.s32 @!p0 s1  }
0x23a: {  	[bflag:$0x3] =	sbarrier.arrive $0xFFFF  }
0x23b: {  	_ =	shalt  }

</sc_bundles>
